<compile_context>
chip_gen: v7x
topology: tpu7x:2x2x1
jax: 0.10.2.dev20260603
libtpu: 0.0.44.dev20260713+nightly
codegen_flags: <defaults>
</compile_context>

<pallas_src>
import jax
import jax.numpy as jnp
from jax import lax
from jax.experimental import pallas as pl
from jax.experimental.pallas import tpu as pltpu
from jax.experimental.pallas import tpu_sc as plsc

N_NODES = 10000
N_EDGES = 320000
D = 128
NC = 2
NS = 16
NW = NC * NS
EPW = N_EDGES // NW
EB = 80
NB = EPW // EB
RZ = 80

_mesh = plsc.VectorSubcoreMesh(core_axis_name="c", subcore_axis_name="s")
_f32 = jnp.float32


def _zero_vmem_2d(ref, rows, cols):
    zv = jnp.zeros((16,), dtype=_f32)

    @pl.loop(0, rows)
    def _(r):
        row_ref = ref.at[r]
        for cb in range(cols // 16):
            row_ref.at[pl.ds(cb * 16, 16)][...] = zv


def _deg_body(col_hbm, ew_hbm, out_hbm, acc, colb, ewb, pay0, pay1, zb, sp0, sp1):
    c = lax.axis_index("c")
    s = lax.axis_index("s")
    wid = c * NS + s

    base = s * 640
    nchunk = jnp.where(s == NS - 1, 5, 8)
    _zero_vmem_2d(zb, RZ, 16)

    @pl.loop(0, nchunk)
    def _(t):
        off = pl.multiple_of(base + t * RZ, 8)
        pltpu.sync_copy(zb, acc.at[pl.ds(off, RZ)])

    plsc.subcore_barrier()

    pltpu.sync_copy(col_hbm.at[wid], colb)
    pltpu.sync_copy(ew_hbm.at[wid], ewb)

    zv = jnp.zeros((16,), dtype=_f32)

    def _build(i, pay):
        @pl.loop(0, EB // 16)
        def _(g):
            ew_v = ewb.at[i].at[pl.ds(g * 16, 16)][...]
            for r in range(16):
                pay.at[g * 16 + r].at[pl.ds(0, 16)][...] = zv + ew_v[r]

    def _dblk(i, pay, sem):
        @pl.when(i >= 2)
        def _():
            pltpu.make_async_copy(pay, acc.at[colb.at[i - 2]], sem).wait()

        _build(i, pay)
        pltpu.async_copy(pay, acc.at[colb.at[i]], sem, add=True)

    @pl.loop(0, NB // 2)
    def _(p):
        _dblk(p * 2, pay0, sp0)
        _dblk(p * 2 + 1, pay1, sp1)

    _dblk(NB - 1, pay0, sp0)
    pltpu.make_async_copy(pay1, acc.at[colb.at[NB - 2]], sp1).wait()
    pltpu.make_async_copy(pay0, acc.at[colb.at[NB - 1]], sp0).wait()

    plsc.subcore_barrier()

    @pl.loop(0, nchunk)
    def _(t):
        off = pl.multiple_of(base + t * RZ, 8)
        sl = pl.ds(off, RZ)
        pltpu.sync_copy(acc.at[sl], out_hbm.at[c].at[sl])


@jax.jit
def _deg_partials(col2d, ew2d):
    k = pl.kernel(
        _deg_body,
        out_type=jax.ShapeDtypeStruct((NC, N_NODES, 16), _f32),
        mesh=_mesh,
        scratch_types=[
            pltpu.VMEM_SHARED((N_NODES, 16), _f32),
            pltpu.VMEM((NB, EB), jnp.int32),
            pltpu.VMEM((NB, EB), _f32),
            pltpu.VMEM((EB, 16), _f32),
            pltpu.VMEM((EB, 16), _f32),
            pltpu.VMEM((RZ, 16), _f32),
            pltpu.SemaphoreType.DMA,
            pltpu.SemaphoreType.DMA,
        ],
    )
    return k(col2d, ew2d)


def _hop_body(u_hbm, row_hbm, col_hbm, ew_hbm, out_hbm,
              acc, rowb, colb, ewb, rv0, rv1, rv2, g0, g1, g2, s0, s1, s2):
    c = lax.axis_index("c")
    s = lax.axis_index("s")
    wid = c * NS + s

    base = s * 640
    nchunk = jnp.where(s == NS - 1, 5, 8)
    _zero_vmem_2d(rv0, RZ, D)

    @pl.loop(0, nchunk)
    def _(t):
        off = pl.multiple_of(base + t * RZ, 8)
        pltpu.sync_copy(rv0, acc.at[pl.ds(off, RZ)])

    plsc.subcore_barrier()

    def _scale_block(i, rv):
        @pl.loop(0, EB // 16)
        def _(g):
            ew_v = ewb.at[i].at[pl.ds(g * 16, 16)][...]
            for r in range(16):
                w = ew_v[r]
                row_ref = rv.at[g * 16 + r]
                vals = [row_ref.at[pl.ds(cb * 16, 16)][...] for cb in range(D // 16)]
                prods = [v * w for v in vals]
                for cb in range(D // 16):
                    row_ref.at[pl.ds(cb * 16, 16)][...] = prods[cb]

    def _blk(j, cn, rvB, gB, sB, rvP, gP, sP):
        pltpu.make_async_copy(rvP, acc.at[colb.at[j - 2]], sP).wait()

        @pl.when(j + 1 < cn)
        def _():
            pltpu.async_copy(u_hbm.at[rowb.at[j + 1]], rvP, gP)

        pltpu.make_async_copy(u_hbm.at[rowb.at[j]], rvB, gB).wait()
        _scale_block(j, rvB)
        pltpu.async_copy(rvB, acc.at[colb.at[j]], sB, add=True)

    def _chunk_pipe(cn):
        a0 = pltpu.async_copy(u_hbm.at[rowb.at[0]], rv0, g0)
        a1 = pltpu.async_copy(u_hbm.at[rowb.at[1]], rv1, g1)
        a0.wait()
        _scale_block(0, rv0)
        pltpu.async_copy(rv0, acc.at[colb.at[0]], s0, add=True)
        pltpu.async_copy(u_hbm.at[rowb.at[2]], rv2, g2)
        a1.wait()
        _scale_block(1, rv1)
        pltpu.async_copy(rv1, acc.at[colb.at[1]], s1, add=True)

        @pl.loop(0, (cn - 2) // 3)
        def _(p):
            j = p * 3 + 2
            _blk(j, cn, rv2, g2, s2, rv0, g0, s0)
            _blk(j + 1, cn, rv0, g0, s0, rv1, g1, s1)
            _blk(j + 2, cn, rv1, g1, s1, rv2, g2, s2)

        pltpu.make_async_copy(rv0, acc.at[colb.at[cn - 2]], s0).wait()
        pltpu.make_async_copy(rv1, acc.at[colb.at[cn - 1]], s1).wait()

    def _stage(off, n):
        pltpu.sync_copy(row_hbm.at[wid].at[pl.ds(off, n)], rowb.at[pl.ds(0, n)])
        pltpu.sync_copy(col_hbm.at[wid].at[pl.ds(off, n)], colb.at[pl.ds(0, n)])
        pltpu.sync_copy(ew_hbm.at[wid].at[pl.ds(off, n)], ewb.at[pl.ds(0, n)])

    @pl.loop(0, 3)
    def _(ch):
        _stage(pl.multiple_of(ch * 32, 8), 32)
        _chunk_pipe(32)

    _stage(96, NB - 96)
    _chunk_pipe(NB - 96)

    plsc.subcore_barrier()

    @pl.loop(0, nchunk)
    def _(t):
        off = pl.multiple_of(base + t * RZ, 8)
        sl = pl.ds(off, RZ)
        pltpu.sync_copy(acc.at[sl], out_hbm.at[c].at[sl])


@jax.jit
def _hop(u, row2d, col2d, ew2d):
    k = pl.kernel(
        _hop_body,
        out_type=jax.ShapeDtypeStruct((NC, N_NODES, D), _f32),
        mesh=_mesh,
        scratch_types=[
            pltpu.VMEM_SHARED((N_NODES, D), _f32),
            pltpu.VMEM((32, EB), jnp.int32),
            pltpu.VMEM((32, EB), jnp.int32),
            pltpu.VMEM((32, EB), _f32),
            pltpu.VMEM((EB, D), _f32),
            pltpu.VMEM((EB, D), _f32),
            pltpu.VMEM((EB, D), _f32),
            pltpu.SemaphoreType.DMA,
            pltpu.SemaphoreType.DMA,
            pltpu.SemaphoreType.DMA,
            pltpu.SemaphoreType.DMA,
            pltpu.SemaphoreType.DMA,
            pltpu.SemaphoreType.DMA,
        ],
    )
    return k(u, row2d, col2d, ew2d)


RB = 2000
NRB = N_NODES // RB

_dp_spec = pl.BlockSpec((NC, RB, 16), lambda i: (0, i, 0))
_row_spec = pl.BlockSpec((RB, D), lambda i: (i, 0))
_sp_spec = pl.BlockSpec((NC, RB, D), lambda i: (0, i, 0))


def _dis_from_dp(dp):
    deg = dp[0, :, 0:1] + dp[1, :, 0:1] + 1.0
    return lax.rsqrt(deg)


def _scale_body(dp_ref, x_ref, o_ref):
    o_ref[...] = x_ref[...] * _dis_from_dp(dp_ref[...])


@jax.jit
def _scale(dp, x):
    return pl.pallas_call(
        _scale_body,
        grid=(NRB,),
        in_specs=[_dp_spec, _row_spec],
        out_specs=_row_spec,
        out_shape=jax.ShapeDtypeStruct((N_NODES, D), _f32),
    )(dp, x)


def _combine_body(dp_ref, sp_ref, u_ref, o_ref):
    dis = _dis_from_dp(dp_ref[...])
    o_ref[...] = (sp_ref[0] + sp_ref[1] + u_ref[...]) * (dis * dis)


@jax.jit
def _combine(dp, sp, u):
    return pl.pallas_call(
        _combine_body,
        grid=(NRB,),
        in_specs=[_dp_spec, _sp_spec, _row_spec],
        out_specs=_row_spec,
        out_shape=jax.ShapeDtypeStruct((N_NODES, D), _f32),
    )(dp, sp, u)


def _final_body(dp_ref, sp_ref, u_ref, w_ref, b_ref, o_ref):
    dis = _dis_from_dp(dp_ref[...])
    h = (sp_ref[0] + sp_ref[1] + u_ref[...]) * dis
    o_ref[...] = (
        jax.lax.dot_general(h, w_ref[...], (((1,), (1,)), ((), ())),
                            preferred_element_type=_f32)
        + b_ref[...]
    )


@jax.jit
def _final(dp, sp, u, W, b2d):
    return pl.pallas_call(
        _final_body,
        grid=(NRB,),
        in_specs=[
            _dp_spec,
            _sp_spec,
            _row_spec,
            pl.BlockSpec((D, D), lambda i: (0, 0)),
            pl.BlockSpec((1, D), lambda i: (0, 0)),
        ],
        out_specs=_row_spec,
        out_shape=jax.ShapeDtypeStruct((N_NODES, D), _f32),
    )(dp, sp, u, W, b2d)


def kernel(x, edge_index, edge_weight, W, b):
    row2d = edge_index[0].reshape(NW, NB, EB)
    col2d = edge_index[1].reshape(NW, NB, EB)
    ew2d = edge_weight.reshape(NW, NB, EB)

    dp = _deg_partials(col2d, ew2d)
    u0 = _scale(dp, x)
    sp1 = _hop(u0, row2d, col2d, ew2d)
    u1 = _combine(dp, sp1, u0)
    sp2 = _hop(u1, row2d, col2d, ew2d)
    return _final(dp, sp2, u1, W, b.reshape(1, D))

# --- scband reference (transcript-rebuilt; emitter-appended) ---
"""Pipeline reference for scband-sgcn-3195455668266 (READ-ONLY COPY).

The authoritative reference and input builder live on the scoring server;
editing this copy changes nothing except your own understanding.
"""

import jax, jax.numpy as jnp
import numpy as np

N_NODES = 10000
N_EDGES = 320000
D_IN = 128
D_OUT = 128
K = 2


def setup_inputs(seed: int = 0) -> dict:
    key = jax.random.key(seed)
    k1, k2, k3, k4 = jax.random.split(key, 4)
    x = jax.random.normal(k1, (N_NODES, D_IN), dtype=jnp.float32)
    edge_index = jax.random.randint(k2, (2, N_EDGES), 0, N_NODES, dtype=jnp.int32)
    edge_weight = jax.random.uniform(k3, (N_EDGES,), dtype=jnp.float32)
    # SGConv learned params: single linear layer applied after K propagations
    W = jax.random.normal(k4, (D_OUT, D_IN), dtype=jnp.float32) * (1.0 / np.sqrt(D_IN))
    b = jnp.zeros((D_OUT,), dtype=jnp.float32)
    return {"x": x, "edge_index": edge_index, "edge_weight": edge_weight, "W": W, "b": b}


def _gcn_norm(edge_index, edge_weight, num_nodes):
    # add self-loops with weight 1 (PyG gcn_norm default fill_value=1)
    row, col = edge_index[0], edge_index[1]
    loop = jnp.arange(num_nodes, dtype=row.dtype)
    row = jnp.concatenate([row, loop])
    col = jnp.concatenate([col, loop])
    ew = jnp.concatenate([edge_weight, jnp.ones((num_nodes,), dtype=edge_weight.dtype)])
    deg = jax.ops.segment_sum(ew, col, num_segments=num_nodes)
    deg_inv_sqrt = jnp.where(deg > 0, deg ** -0.5, 0.0)
    norm = deg_inv_sqrt[row] * ew * deg_inv_sqrt[col]
    return row, col, norm


def reference(x, edge_index, edge_weight, W, b):
    num_nodes = x.shape[0]
    row, col, norm = _gcn_norm(edge_index, edge_weight, num_nodes)
    h = x
    for _ in range(K):
        # message: norm * x[row]; aggregate: scatter-add at col
        h = jax.ops.segment_sum(norm[:, None] * h[row], col, num_segments=num_nodes)
    out = h @ W.T + b
    return out

if __name__ == "__main__":
    import jax
    _d = setup_inputs()
    print(jax.jit(kernel)(*tuple(_d.values())))

</pallas_src>

<mosaic_0001>
#map = affine_map<(d0, d1) -> (0, 0, 0)>
module attributes {stable_mosaic.version = 14 : i64} {
  func.func @_deg_body(%arg0: i32, %arg1: i32, %arg2: memref<32x125x80xi32, #tpu.memory_space<hbm>>, %arg3: memref<32x125x80xf32, #tpu.memory_space<hbm>>, %arg4: memref<2x10000x16xf32, #tpu.memory_space<hbm>>, %arg5: memref<10000x16xf32, #tpu.memory_space<vmem_shared>>, %arg6: memref<125x80xi32, #tpu.memory_space<vmem>>, %arg7: memref<125x80xf32, #tpu.memory_space<vmem>>, %arg8: memref<80x16xf32, #tpu.memory_space<vmem>>, %arg9: memref<80x16xf32, #tpu.memory_space<vmem>>, %arg10: memref<80x16xf32, #tpu.memory_space<vmem>>, %arg11: memref<!tpu.dma_semaphore, #tpu.memory_space<semaphore_mem>>, %arg12: memref<!tpu.dma_semaphore, #tpu.memory_space<semaphore_mem>>) attributes {dimension_semantics = [#tpu.dimension_semantics<core_parallel>, #tpu.dimension_semantics<subcore_parallel>], iteration_bounds = array<i64: 2, 16>, scalar_prefetch = 0 : i64, scratch_operands = 8 : i64, tpu.core_type = #tpu.core_type<sc_vector_subcore>, window_params = [{transform_indices = #map}, {transform_indices = #map}, {transform_indices = #map}]} {
    %mul3A = arith.constant 16 : i32
    %mul3A_0 = arith.muli %arg0, %mul3A : i32
    %add3A = arith.addi %mul3A_0, %arg1 : i32
    %mul3A_1 = arith.constant 640 : i32
    %mul3A_2 = arith.muli %arg1, %mul3A_1 : i32
    %eq3A = arith.constant 15 : i32
    %eq3A_3 = arith.cmpi eq, %arg1, %eq3A : i32
    %jit3A = arith.constant 5 : i32
    %jit3A_4 = arith.constant 8 : i32
    %select_n3A = arith.select %eq3A_3, %jit3A, %jit3A_4 : i32
    %broadcast_in_dim3A = arith.constant 0.000000e+00 : f32
    %broadcast_in_dim3A_5 = vector.broadcast %broadcast_in_dim3A : f32 to vector<16xf32>
    %scan3A = arith.constant 0 : i32
    %scan3A_6 = arith.constant 80 : i32
    %scan3A_7 = arith.addi %scan3A, %scan3A_6 : i32
    %scan3A_8 = arith.constant 1 : i32
    scf.for %scan3A_84 = %scan3A to %scan3A_7 step %scan3A_8  : i32 {
      %mul3A_85 = arith.constant 1 : i32
      %mul3A_86 = arith.muli %scan3A_84, %mul3A_85 : i32
      %add3A_87 = arith.constant 0 : i32
      %add3A_88 = arith.addi %add3A_87, %mul3A_86 : i32
      %swap3A = arith.constant 0 : i32
      %swap3A_89 = tpu.memref_slice %arg10[%add3A_88, %swap3A] : memref<80x16xf32, #tpu.memory_space<vmem>> -> memref<1x16xf32, #tpu.memory_space<vmem>>
      %swap3A_90 = tpu.memref_squeeze %swap3A_89 : memref<1x16xf32, #tpu.memory_space<vmem>> -> memref<16xf32, #tpu.memory_space<vmem>>
      %swap3A_91 = arith.constant 0 : index
      %swap3A_92 = tpu.vector_load %swap3A_90[%swap3A_91] {strides = array<i32>} : memref<16xf32, #tpu.memory_space<vmem>>, vector<16xf32>,
      %swap3A_93 = vector.shape_cast %swap3A_92 : vector<16xf32> to vector<16xf32>
      %swap3A_94 = vector.shape_cast %broadcast_in_dim3A_5 : vector<16xf32> to vector<16xf32>
      tpu.vector_store %swap3A_90[%swap3A_91], %swap3A_94 {strides = array<i32>} : memref<16xf32, #tpu.memory_space<vmem>>, vector<16xf32>,
    }
    %scan3A_9 = arith.constant 80 : i32
    %sub3A = arith.constant 0 : i32
    %sub3A_10 = arith.subi %select_n3A, %sub3A : i32
    %sub3A_11 = arith.constant 1 : i32
    %sub3A_12 = arith.constant 1 : i32
    %sub3A_13 = arith.subi %sub3A_11, %sub3A_12 : i32
    %add3A_14 = arith.addi %sub3A_10, %sub3A_13 : i32
    %div3A = arith.constant 1 : i32
    %div3A_15 = arith.divsi %add3A_14, %div3A : i32
    %while3A = arith.constant 1 : i32
    %while3A_16 = arith.constant 0 : i32
    %while3A_17 = arith.constant 0 : i32
    %while3A_18 = arith.subi %div3A_15, %while3A_17 : i32
    %while3A_19 = arith.addi %while3A_17, %while3A_18 : i32
    %while3A_20 = arith.constant 1 : i32
    %while3A_21 = arith.divsi %while3A_18, %while3A_20 : i32
    %while3A_22 = arith.muli %while3A_21, %while3A_20 : i32
    %while3A_23 = arith.addi %while3A_17, %while3A_22 : i32
    %while3A_24 = arith.constant 1 : i32
    scf.for %while3A_84 = %while3A_17 to %while3A_23 step %while3A_24  : i32 {
      %mul3A_85 = arith.muli %while3A_84, %while3A : i32
      %add3A_86 = arith.addi %while3A_16, %mul3A_85 : i32
      %mul3A_87 = arith.constant 80 : i32
      %mul3A_88 = arith.muli %add3A_86, %mul3A_87 : i32
      %add3A_89 = arith.addi %mul3A_2, %mul3A_88 : i32
      %multiple_of3A = tpu.assume_multiple %add3A_89, 8 : i32
      "tpu.region"() ({
        %run_scoped3A = tpu.sem_alloc : memref<!tpu.dma_semaphore, #tpu.memory_space<semaphore_mem>>
        %dma_start3A_90 = arith.constant 0 : i32
        %dma_start3A_91 = tpu.memref_slice %arg5[%multiple_of3A, %dma_start3A_90] : memref<10000x16xf32, #tpu.memory_space<vmem_shared>> -> memref<80x16xf32, #tpu.memory_space<vmem_shared>>
        %dma_start3A_92 = arith.constant 0 : i32
        %dma_start3A_93 = tpu.memref_slice %arg5[%multiple_of3A, %dma_start3A_92] : memref<10000x16xf32, #tpu.memory_space<vmem_shared>> -> memref<80x16xf32, #tpu.memory_space<vmem_shared>>
        tpu.enqueue_dma source(%arg10 : memref<80x16xf32, #tpu.memory_space<vmem>>) target(%dma_start3A_93 : memref<80x16xf32, #tpu.memory_space<vmem_shared>>) target_semaphore(%run_scoped3A : memref<!tpu.dma_semaphore, #tpu.memory_space<semaphore_mem>>)
        %dma_wait3A_94 = arith.constant 0 : i32
        %dma_wait3A_95 = tpu.memref_slice %arg5[%multiple_of3A, %dma_wait3A_94] : memref<10000x16xf32, #tpu.memory_space<vmem_shared>> -> memref<80x16xf32, #tpu.memory_space<vmem_shared>>
        %dma_wait3A_96 = arith.constant 0 : i32
        %dma_wait3A_97 = tpu.memref_slice %arg5[%multiple_of3A, %dma_wait3A_96] : memref<10000x16xf32, #tpu.memory_space<vmem_shared>> -> memref<80x16xf32, #tpu.memory_space<vmem_shared>>
        tpu.wait_dma2 semaphore(%run_scoped3A : memref<!tpu.dma_semaphore, #tpu.memory_space<semaphore_mem>>) src(%arg10 : memref<80x16xf32, #tpu.memory_space<vmem>>) dst(%dma_wait3A_97 : memref<80x16xf32, #tpu.memory_space<vmem_shared>>)
        tpu.yield
      }) : () -> ()
    }
    %while3A_25 = arith.constant 1 : i32
    scf.for %while3A_84 = %while3A_23 to %while3A_19 step %while3A_25  : i32 {
      %mul3A_85 = arith.muli %while3A_84, %while3A : i32
      %add3A_86 = arith.addi %while3A_16, %mul3A_85 : i32
      %mul3A_87 = arith.constant 80 : i32
      %mul3A_88 = arith.muli %add3A_86, %mul3A_87 : i32
      %add3A_89 = arith.addi %mul3A_2, %mul3A_88 : i32
      %multiple_of3A = tpu.assume_multiple %add3A_89, 8 : i32
      "tpu.region"() ({
        %run_scoped3A = tpu.sem_alloc : memref<!tpu.dma_semaphore, #tpu.memory_space<semaphore_mem>>
        %dma_start3A_90 = arith.constant 0 : i32
        %dma_start3A_91 = tpu.memref_slice %arg5[%multiple_of3A, %dma_start3A_90] : memref<10000x16xf32, #tpu.memory_space<vmem_shared>> -> memref<80x16xf32, #tpu.memory_space<vmem_shared>>
        %dma_start3A_92 = arith.constant 0 : i32
        %dma_start3A_93 = tpu.memref_slice %arg5[%multiple_of3A, %dma_start3A_92] : memref<10000x16xf32, #tpu.memory_space<vmem_shared>> -> memref<80x16xf32, #tpu.memory_space<vmem_shared>>
        tpu.enqueue_dma source(%arg10 : memref<80x16xf32, #tpu.memory_space<vmem>>) target(%dma_start3A_93 : memref<80x16xf32, #tpu.memory_space<vmem_shared>>) target_semaphore(%run_scoped3A : memref<!tpu.dma_semaphore, #tpu.memory_space<semaphore_mem>>)
        %dma_wait3A_94 = arith.constant 0 : i32
        %dma_wait3A_95 = tpu.memref_slice %arg5[%multiple_of3A, %dma_wait3A_94] : memref<10000x16xf32, #tpu.memory_space<vmem_shared>> -> memref<80x16xf32, #tpu.memory_space<vmem_shared>>
        %dma_wait3A_96 = arith.constant 0 : i32
        %dma_wait3A_97 = tpu.memref_slice %arg5[%multiple_of3A, %dma_wait3A_96] : memref<10000x16xf32, #tpu.memory_space<vmem_shared>> -> memref<80x16xf32, #tpu.memory_space<vmem_shared>>
        tpu.wait_dma2 semaphore(%run_scoped3A : memref<!tpu.dma_semaphore, #tpu.memory_space<semaphore_mem>>) src(%arg10 : memref<80x16xf32, #tpu.memory_space<vmem>>) dst(%dma_wait3A_97 : memref<80x16xf32, #tpu.memory_space<vmem_shared>>)
        tpu.yield
      }) : () -> ()
    }
    %barrier3A = arith.constant 0 : index
    tpu.barrier barrier_id(%barrier3A)
    "tpu.region"() ({
      %run_scoped3A = tpu.sem_alloc : memref<!tpu.dma_semaphore, #tpu.memory_space<semaphore_mem>>
      %dma_start3A_84 = arith.constant 0 : i32
      %dma_start3A_85 = arith.constant 0 : i32
      %dma_start3A_86 = tpu.memref_slice %arg2[%add3A, %dma_start3A_84, %dma_start3A_85] : memref<32x125x80xi32, #tpu.memory_space<hbm>> -> memref<1x125x80xi32, #tpu.memory_space<hbm>>
      %dma_start3A_87 = tpu.memref_squeeze %dma_start3A_86 : memref<1x125x80xi32, #tpu.memory_space<hbm>> -> memref<125x80xi32, #tpu.memory_space<hbm>>
      %dma_start3A_88 = arith.constant 0 : i32
      %dma_start3A_89 = arith.constant 0 : i32
      %dma_start3A_90 = tpu.memref_slice %arg2[%add3A, %dma_start3A_88, %dma_start3A_89] : memref<32x125x80xi32, #tpu.memory_space<hbm>> -> memref<1x125x80xi32, #tpu.memory_space<hbm>>
      %dma_start3A_91 = tpu.memref_squeeze %dma_start3A_90 : memref<1x125x80xi32, #tpu.memory_space<hbm>> -> memref<125x80xi32, #tpu.memory_space<hbm>>
      tpu.enqueue_dma source(%dma_start3A_91 : memref<125x80xi32, #tpu.memory_space<hbm>>) target(%arg6 : memref<125x80xi32, #tpu.memory_space<vmem>>) target_semaphore(%run_scoped3A : memref<!tpu.dma_semaphore, #tpu.memory_space<semaphore_mem>>)
      %dma_wait3A_92 = arith.constant 0 : i32
      %dma_wait3A_93 = arith.constant 0 : i32
      %dma_wait3A_94 = tpu.memref_slice %arg2[%add3A, %dma_wait3A_92, %dma_wait3A_93] : memref<32x125x80xi32, #tpu.memory_space<hbm>> -> memref<1x125x80xi32, #tpu.memory_space<hbm>>
      %dma_wait3A_95 = tpu.memref_squeeze %dma_wait3A_94 : memref<1x125x80xi32, #tpu.memory_space<hbm>> -> memref<125x80xi32, #tpu.memory_space<hbm>>
      %dma_wait3A_96 = arith.constant 0 : i32
      %dma_wait3A_97 = arith.constant 0 : i32
      %dma_wait3A_98 = tpu.memref_slice %arg2[%add3A, %dma_wait3A_96, %dma_wait3A_97] : memref<32x125x80xi32, #tpu.memory_space<hbm>> -> memref<1x125x80xi32, #tpu.memory_space<hbm>>
      %dma_wait3A_99 = tpu.memref_squeeze %dma_wait3A_98 : memref<1x125x80xi32, #tpu.memory_space<hbm>> -> memref<125x80xi32, #tpu.memory_space<hbm>>
      tpu.wait_dma2 semaphore(%run_scoped3A : memref<!tpu.dma_semaphore, #tpu.memory_space<semaphore_mem>>) src(%dma_wait3A_99 : memref<125x80xi32, #tpu.memory_space<hbm>>) dst(%arg6 : memref<125x80xi32, #tpu.memory_space<vmem>>)
      tpu.yield
    }) : () -> ()
    "tpu.region"() ({
      %run_scoped3A = tpu.sem_alloc : memref<!tpu.dma_semaphore, #tpu.memory_space<semaphore_mem>>
      %dma_start3A_84 = arith.constant 0 : i32
      %dma_start3A_85 = arith.constant 0 : i32
      %dma_start3A_86 = tpu.memref_slice %arg3[%add3A, %dma_start3A_84, %dma_start3A_85] : memref<32x125x80xf32, #tpu.memory_space<hbm>> -> memref<1x125x80xf32, #tpu.memory_space<hbm>>
      %dma_start3A_87 = tpu.memref_squeeze %dma_start3A_86 : memref<1x125x80xf32, #tpu.memory_space<hbm>> -> memref<125x80xf32, #tpu.memory_space<hbm>>
      %dma_start3A_88 = arith.constant 0 : i32
      %dma_start3A_89 = arith.constant 0 : i32
      %dma_start3A_90 = tpu.memref_slice %arg3[%add3A, %dma_start3A_88, %dma_start3A_89] : memref<32x125x80xf32, #tpu.memory_space<hbm>> -> memref<1x125x80xf32, #tpu.memory_space<hbm>>
      %dma_start3A_91 = tpu.memref_squeeze %dma_start3A_90 : memref<1x125x80xf32, #tpu.memory_space<hbm>> -> memref<125x80xf32, #tpu.memory_space<hbm>>
      tpu.enqueue_dma source(%dma_start3A_91 : memref<125x80xf32, #tpu.memory_space<hbm>>) target(%arg7 : memref<125x80xf32, #tpu.memory_space<vmem>>) target_semaphore(%run_scoped3A : memref<!tpu.dma_semaphore, #tpu.memory_space<semaphore_mem>>)
      %dma_wait3A_92 = arith.constant 0 : i32
      %dma_wait3A_93 = arith.constant 0 : i32
      %dma_wait3A_94 = tpu.memref_slice %arg3[%add3A, %dma_wait3A_92, %dma_wait3A_93] : memref<32x125x80xf32, #tpu.memory_space<hbm>> -> memref<1x125x80xf32, #tpu.memory_space<hbm>>
      %dma_wait3A_95 = tpu.memref_squeeze %dma_wait3A_94 : memref<1x125x80xf32, #tpu.memory_space<hbm>> -> memref<125x80xf32, #tpu.memory_space<hbm>>
      %dma_wait3A_96 = arith.constant 0 : i32
      %dma_wait3A_97 = arith.constant 0 : i32
      %dma_wait3A_98 = tpu.memref_slice %arg3[%add3A, %dma_wait3A_96, %dma_wait3A_97] : memref<32x125x80xf32, #tpu.memory_space<hbm>> -> memref<1x125x80xf32, #tpu.memory_space<hbm>>
      %dma_wait3A_99 = tpu.memref_squeeze %dma_wait3A_98 : memref<1x125x80xf32, #tpu.memory_space<hbm>> -> memref<125x80xf32, #tpu.memory_space<hbm>>
      tpu.wait_dma2 semaphore(%run_scoped3A : memref<!tpu.dma_semaphore, #tpu.memory_space<semaphore_mem>>) src(%dma_wait3A_99 : memref<125x80xf32, #tpu.memory_space<hbm>>) dst(%arg7 : memref<125x80xf32, #tpu.memory_space<vmem>>)
      tpu.yield
    }) : () -> ()
    %broadcast_in_dim3A_26 = arith.constant 0.000000e+00 : f32
    %broadcast_in_dim3A_27 = vector.broadcast %broadcast_in_dim3A_26 : f32 to vector<16xf32>
    %scan3A_28 = arith.constant 0 : i32
    %scan3A_29 = arith.constant 62 : i32
    %scan3A_30 = arith.addi %scan3A_28, %scan3A_29 : i32
    %scan3A_31 = arith.constant 1 : i32
    scf.for %scan3A_84 = %scan3A_28 to %scan3A_30 step %scan3A_31  : i32 {
      %mul3A_85 = arith.constant 1 : i32
      %mul3A_86 = arith.muli %scan3A_84, %mul3A_85 : i32
      %add3A_87 = arith.constant 0 : i32
      %add3A_88 = arith.addi %add3A_87, %mul3A_86 : i32
      %mul3A_89 = arith.constant 2 : i32
      %mul3A_90 = arith.muli %add3A_88, %mul3A_89 : i32
      %ge3A = arith.constant 2 : i32
      %ge3A_91 = arith.cmpi sge, %mul3A_90, %ge3A : i32
      %convert_element_type3A = arith.extui %ge3A_91 : i1 to i32
      %cond3A = arith.constant 0 : i32
      %cond3A_92 = arith.cmpi ne, %convert_element_type3A, %cond3A : i32
      scf.if %cond3A_92 {
        %sub3A_124 = arith.constant 2 : i32
        %sub3A_125 = arith.subi %mul3A_90, %sub3A_124 : i32
        %dma_wait3A_126 = arith.constant 0 : i32
        %dma_wait3A_127 = tpu.memref_slice %arg6[%sub3A_125, %dma_wait3A_126] : memref<125x80xi32, #tpu.memory_space<vmem>> -> memref<1x80xi32, #tpu.memory_space<vmem>>
        %dma_wait3A_128 = tpu.memref_squeeze %dma_wait3A_127 : memref<1x80xi32, #tpu.memory_space<vmem>> -> memref<80xi32, #tpu.memory_space<vmem>>
        %dma_wait3A_129 = arith.constant 0 : i32
        %dma_wait3A_130 = arith.constant 0 : i32
        %dma_wait3A_131 = tpu.memref_slice %arg5[%dma_wait3A_129, %dma_wait3A_130] : memref<10000x16xf32, #tpu.memory_space<vmem_shared>> -> memref<10000x16xf32, #tpu.memory_space<vmem_shared>>
        tpu.wait_indirect_dma semaphore(%arg11 : memref<!tpu.dma_semaphore, #tpu.memory_space<semaphore_mem>>) src(%arg8 : memref<80x16xf32, #tpu.memory_space<vmem>>) dst(%dma_wait3A_131 : memref<10000x16xf32, #tpu.memory_space<vmem_shared>>)
      } else {
      }
      %scan3A_93 = arith.constant 0 : i32
      %scan3A_94 = arith.constant 5 : i32
      %scan3A_95 = arith.addi %scan3A_93, %scan3A_94 : i32
      %scan3A_96 = arith.constant 1 : i32
      scf.for %scan3A_124 = %scan3A_93 to %scan3A_95 step %scan3A_96  : i32 {
        %mul3A_125 = arith.constant 1 : i32
        %mul3A_126 = arith.muli %scan3A_124, %mul3A_125 : i32
        %add3A_127 = arith.constant 0 : i32
        %add3A_128 = arith.addi %add3A_127, %mul3A_126 : i32
        %mul3A_129 = arith.constant 16 : i32
        %mul3A_130 = arith.muli %add3A_128, %mul3A_129 : i32
        %get3A = arith.constant 0 : i32
        %get3A_131 = tpu.memref_slice %arg7[%mul3A_90, %get3A] : memref<125x80xf32, #tpu.memory_space<vmem>> -> memref<1x80xf32, #tpu.memory_space<vmem>>
        %get3A_132 = tpu.memref_squeeze %get3A_131 : memref<1x80xf32, #tpu.memory_space<vmem>> -> memref<80xf32, #tpu.memory_space<vmem>>
        %get3A_133 = arith.index_cast %mul3A_130 : i32 to index
        %get3A_134 = tpu.vector_load %get3A_132[%get3A_133] {strides = array<i32>} : memref<80xf32, #tpu.memory_space<vmem>>, vector<16xf32>,
        %get3A_135 = vector.shape_cast %get3A_134 : vector<16xf32> to vector<16xf32>
        %slice3A = vector.extract_strided_slice %get3A_135 {offsets = [0], sizes = [1], strides = [1]} : vector<16xf32> to vector<1xf32>
        %squeeze3A = vector.extract %slice3A[0] : f32 from vector<1xf32>
        %add3A_136 = vector.broadcast %squeeze3A : f32 to vector<16xf32>
        %add3A_137 = arith.addf %broadcast_in_dim3A_27, %add3A_136 : vector<16xf32>
        %mul3A_138 = arith.constant 16 : i32
        %mul3A_139 = arith.muli %add3A_128, %mul3A_138 : i32
        %add3A_140 = arith.constant 0 : i32
        %add3A_141 = arith.addi %mul3A_139, %add3A_140 : i32
        %swap3A = arith.constant 0 : i32
        %swap3A_142 = tpu.memref_slice %arg8[%add3A_141, %swap3A] : memref<80x16xf32, #tpu.memory_space<vmem>> -> memref<1x16xf32, #tpu.memory_space<vmem>>
        %swap3A_143 = tpu.memref_squeeze %swap3A_142 : memref<1x16xf32, #tpu.memory_space<vmem>> -> memref<16xf32, #tpu.memory_space<vmem>>
        %swap3A_144 = arith.constant 0 : index
        %swap3A_145 = tpu.vector_load %swap3A_143[%swap3A_144] {strides = array<i32>} : memref<16xf32, #tpu.memory_space<vmem>>, vector<16xf32>,
        %swap3A_146 = vector.shape_cast %swap3A_145 : vector<16xf32> to vector<16xf32>
        %swap3A_147 = vector.shape_cast %add3A_137 : vector<16xf32> to vector<16xf32>
        tpu.vector_store %swap3A_143[%swap3A_144], %swap3A_147 {strides = array<i32>} : memref<16xf32, #tpu.memory_space<vmem>>, vector<16xf32>,
        %slice3A_148 = vector.extract_strided_slice %get3A_135 {offsets = [1], sizes = [1], strides = [1]} : vector<16xf32> to vector<1xf32>
        %squeeze3A_149 = vector.extract %slice3A_148[0] : f32 from vector<1xf32>
        %add3A_150 = vector.broadcast %squeeze3A_149 : f32 to vector<16xf32>
        %add3A_151 = arith.addf %broadcast_in_dim3A_27, %add3A_150 : vector<16xf32>
        %mul3A_152 = arith.constant 16 : i32
        %mul3A_153 = arith.muli %add3A_128, %mul3A_152 : i32
        %add3A_154 = arith.constant 1 : i32
        %add3A_155 = arith.addi %mul3A_153, %add3A_154 : i32
        %swap3A_156 = arith.constant 0 : i32
        %swap3A_157 = tpu.memref_slice %arg8[%add3A_155, %swap3A_156] : memref<80x16xf32, #tpu.memory_space<vmem>> -> memref<1x16xf32, #tpu.memory_space<vmem>>
        %swap3A_158 = tpu.memref_squeeze %swap3A_157 : memref<1x16xf32, #tpu.memory_space<vmem>> -> memref<16xf32, #tpu.memory_space<vmem>>
        %swap3A_159 = arith.constant 0 : index
        %swap3A_160 = tpu.vector_load %swap3A_158[%swap3A_159] {strides = array<i32>} : memref<16xf32, #tpu.memory_space<vmem>>, vector<16xf32>,
        %swap3A_161 = vector.shape_cast %swap3A_160 : vector<16xf32> to vector<16xf32>
        %swap3A_162 = vector.shape_cast %add3A_151 : vector<16xf32> to vector<16xf32>
        tpu.vector_store %swap3A_158[%swap3A_159], %swap3A_162 {strides = array<i32>} : memref<16xf32, #tpu.memory_space<vmem>>, vector<16xf32>,
        %slice3A_163 = vector.extract_strided_slice %get3A_135 {offsets = [2], sizes = [1], strides = [1]} : vector<16xf32> to vector<1xf32>
        %squeeze3A_164 = vector.extract %slice3A_163[0] : f32 from vector<1xf32>
        %add3A_165 = vector.broadcast %squeeze3A_164 : f32 to vector<16xf32>
        %add3A_166 = arith.addf %broadcast_in_dim3A_27, %add3A_165 : vector<16xf32>
        %mul3A_167 = arith.constant 16 : i32
        %mul3A_168 = arith.muli %add3A_128, %mul3A_167 : i32
        %add3A_169 = arith.constant 2 : i32
        %add3A_170 = arith.addi %mul3A_168, %add3A_169 : i32
        %swap3A_171 = arith.constant 0 : i32
        %swap3A_172 = tpu.memref_slice %arg8[%add3A_170, %swap3A_171] : memref<80x16xf32, #tpu.memory_space<vmem>> -> memref<1x16xf32, #tpu.memory_space<vmem>>
        %swap3A_173 = tpu.memref_squeeze %swap3A_172 : memref<1x16xf32, #tpu.memory_space<vmem>> -> memref<16xf32, #tpu.memory_space<vmem>>
        %swap3A_174 = arith.constant 0 : index
        %swap3A_175 = tpu.vector_load %swap3A_173[%swap3A_174] {strides = array<i32>} : memref<16xf32, #tpu.memory_space<vmem>>, vector<16xf32>,
        %swap3A_176 = vector.shape_cast %swap3A_175 : vector<16xf32> to vector<16xf32>
        %swap3A_177 = vector.shape_cast %add3A_166 : vector<16xf32> to vector<16xf32>
        tpu.vector_store %swap3A_173[%swap3A_174], %swap3A_177 {strides = array<i32>} : memref<16xf32, #tpu.memory_space<vmem>>, vector<16xf32>,
        %slice3A_178 = vector.extract_strided_slice %get3A_135 {offsets = [3], sizes = [1], strides = [1]} : vector<16xf32> to vector<1xf32>
        %squeeze3A_179 = vector.extract %slice3A_178[0] : f32 from vector<1xf32>
        %add3A_180 = vector.broadcast %squeeze3A_179 : f32 to vector<16xf32>
        %add3A_181 = arith.addf %broadcast_in_dim3A_27, %add3A_180 : vector<16xf32>
        %mul3A_182 = arith.constant 16 : i32
        %mul3A_183 = arith.muli %add3A_128, %mul3A_182 : i32
        %add3A_184 = arith.constant 3 : i32
        %add3A_185 = arith.addi %mul3A_183, %add3A_184 : i32
        %swap3A_186 = arith.constant 0 : i32
        %swap3A_187 = tpu.memref_slice %arg8[%add3A_185, %swap3A_186] : memref<80x16xf32, #tpu.memory_space<vmem>> -> memref<1x16xf32, #tpu.memory_space<vmem>>
        %swap3A_188 = tpu.memref_squeeze %swap3A_187 : memref<1x16xf32, #tpu.memory_space<vmem>> -> memref<16xf32, #tpu.memory_space<vmem>>
        %swap3A_189 = arith.constant 0 : index
        %swap3A_190 = tpu.vector_load %swap3A_188[%swap3A_189] {strides = array<i32>} : memref<16xf32, #tpu.memory_space<vmem>>, vector<16xf32>,
        %swap3A_191 = vector.shape_cast %swap3A_190 : vector<16xf32> to vector<16xf32>
        %swap3A_192 = vector.shape_cast %add3A_181 : vector<16xf32> to vector<16xf32>
        tpu.vector_store %swap3A_188[%swap3A_189], %swap3A_192 {strides = array<i32>} : memref<16xf32, #tpu.memory_space<vmem>>, vector<16xf32>,
        %slice3A_193 = vector.extract_strided_slice %get3A_135 {offsets = [4], sizes = [1], strides = [1]} : vector<16xf32> to vector<1xf32>
        %squeeze3A_194 = vector.extract %slice3A_193[0] : f32 from vector<1xf32>
        %add3A_195 = vector.broadcast %squeeze3A_194 : f32 to vector<16xf32>
        %add3A_196 = arith.addf %broadcast_in_dim3A_27, %add3A_195 : vector<16xf32>
        %mul3A_197 = arith.constant 16 : i32
        %mul3A_198 = arith.muli %add3A_128, %mul3A_197 : i32
        %add3A_199 = arith.constant 4 : i32
        %add3A_200 = arith.addi %mul3A_198, %add3A_199 : i32
        %swap3A_201 = arith.constant 0 : i32
        %swap3A_202 = tpu.memref_slice %arg8[%add3A_200, %swap3A_201] : memref<80x16xf32, #tpu.memory_space<vmem>> -> memref<1x16xf32, #tpu.memory_space<vmem>>
        %swap3A_203 = tpu.memref_squeeze %swap3A_202 : memref<1x16xf32, #tpu.memory_space<vmem>> -> memref<16xf32, #tpu.memory_space<vmem>>
        %swap3A_204 = arith.constant 0 : index
        %swap3A_205 = tpu.vector_load %swap3A_203[%swap3A_204] {strides = array<i32>} : memref<16xf32, #tpu.memory_space<vmem>>, vector<16xf32>,
        %swap3A_206 = vector.shape_cast %swap3A_205 : vector<16xf32> to vector<16xf32>
        %swap3A_207 = vector.shape_cast %add3A_196 : vector<16xf32> to vector<16xf32>
        tpu.vector_store %swap3A_203[%swap3A_204], %swap3A_207 {strides = array<i32>} : memref<16xf32, #tpu.memory_space<vmem>>, vector<16xf32>,
        %slice3A_208 = vector.extract_strided_slice %get3A_135 {offsets = [5], sizes = [1], strides = [1]} : vector<16xf32> to vector<1xf32>
        %squeeze3A_209 = vector.extract %slice3A_208[0] : f32 from vector<1xf32>
        %add3A_210 = vector.broadcast %squeeze3A_209 : f32 to vector<16xf32>
        %add3A_211 = arith.addf %broadcast_in_dim3A_27, %add3A_210 : vector<16xf32>
        %mul3A_212 = arith.constant 16 : i32
        %mul3A_213 = arith.muli %add3A_128, %mul3A_212 : i32
        %add3A_214 = arith.constant 5 : i32
        %add3A_215 = arith.addi %mul3A_213, %add3A_214 : i32
        %swap3A_216 = arith.constant 0 : i32
        %swap3A_217 = tpu.memref_slice %arg8[%add3A_215, %swap3A_216] : memref<80x16xf32, #tpu.memory_space<vmem>> -> memref<1x16xf32, #tpu.memory_space<vmem>>
        %swap3A_218 = tpu.memref_squeeze %swap3A_217 : memref<1x16xf32, #tpu.memory_space<vmem>> -> memref<16xf32, #tpu.memory_space<vmem>>
        %swap3A_219 = arith.constant 0 : index
        %swap3A_220 = tpu.vector_load %swap3A_218[%swap3A_219] {strides = array<i32>} : memref<16xf32, #tpu.memory_space<vmem>>, vector<16xf32>,
        %swap3A_221 = vector.shape_cast %swap3A_220 : vector<16xf32> to vector<16xf32>
        %swap3A_222 = vector.shape_cast %add3A_211 : vector<16xf32> to vector<16xf32>
        tpu.vector_store %swap3A_218[%swap3A_219], %swap3A_222 {strides = array<i32>} : memref<16xf32, #tpu.memory_space<vmem>>, vector<16xf32>,
        %slice3A_223 = vector.extract_strided_slice %get3A_135 {offsets = [6], sizes = [1], strides = [1]} : vector<16xf32> to vector<1xf32>
        %squeeze3A_224 = vector.extract %slice3A_223[0] : f32 from vector<1xf32>
        %add3A_225 = vector.broadcast %squeeze3A_224 : f32 to vector<16xf32>
        %add3A_226 = arith.addf %broadcast_in_dim3A_27, %add3A_225 : vector<16xf32>
        %mul3A_227 = arith.constant 16 : i32
        %mul3A_228 = arith.muli %add3A_128, %mul3A_227 : i32
        %add3A_229 = arith.constant 6 : i32
        %add3A_230 = arith.addi %mul3A_228, %add3A_229 : i32
        %swap3A_231 = arith.constant 0 : i32
        %swap3A_232 = tpu.memref_slice %arg8[%add3A_230, %swap3A_231] : memref<80x16xf32, #tpu.memory_space<vmem>> -> memref<1x16xf32, #tpu.memory_space<vmem>>
        %swap3A_233 = tpu.memref_squeeze %swap3A_232 : memref<1x16xf32, #tpu.memory_space<vmem>> -> memref<16xf32, #tpu.memory_space<vmem>>
        %swap3A_234 = arith.constant 0 : index
        %swap3A_235 = tpu.vector_load %swap3A_233[%swap3A_234] {strides = array<i32>} : memref<16xf32, #tpu.memory_space<vmem>>, vector<16xf32>,
        %swap3A_236 = vector.shape_cast %swap3A_235 : vector<16xf32> to vector<16xf32>
        %swap3A_237 = vector.shape_cast %add3A_226 : vector<16xf32> to vector<16xf32>
        tpu.vector_store %swap3A_233[%swap3A_234], %swap3A_237 {strides = array<i32>} : memref<16xf32, #tpu.memory_space<vmem>>, vector<16xf32>,
        %slice3A_238 = vector.extract_strided_slice %get3A_135 {offsets = [7], sizes = [1], strides = [1]} : vector<16xf32> to vector<1xf32>
        %squeeze3A_239 = vector.extract %slice3A_238[0] : f32 from vector<1xf32>
        %add3A_240 = vector.broadcast %squeeze3A_239 : f32 to vector<16xf32>
        %add3A_241 = arith.addf %broadcast_in_dim3A_27, %add3A_240 : vector<16xf32>
        %mul3A_242 = arith.constant 16 : i32
        %mul3A_243 = arith.muli %add3A_128, %mul3A_242 : i32
        %add3A_244 = arith.constant 7 : i32
        %add3A_245 = arith.addi %mul3A_243, %add3A_244 : i32
        %swap3A_246 = arith.constant 0 : i32
        %swap3A_247 = tpu.memref_slice %arg8[%add3A_245, %swap3A_246] : memref<80x16xf32, #tpu.memory_space<vmem>> -> memref<1x16xf32, #tpu.memory_space<vmem>>
        %swap3A_248 = tpu.memref_squeeze %swap3A_247 : memref<1x16xf32, #tpu.memory_space<vmem>> -> memref<16xf32, #tpu.memory_space<vmem>>
        %swap3A_249 = arith.constant 0 : index
        %swap3A_250 = tpu.vector_load %swap3A_248[%swap3A_249] {strides = array<i32>} : memref<16xf32, #tpu.memory_space<vmem>>, vector<16xf32>,
        %swap3A_251 = vector.shape_cast %swap3A_250 : vector<16xf32> to vector<16xf32>
        %swap3A_252 = vector.shape_cast %add3A_241 : vector<16xf32> to vector<16xf32>
        tpu.vector_store %swap3A_248[%swap3A_249], %swap3A_252 {strides = array<i32>} : memref<16xf32, #tpu.memory_space<vmem>>, vector<16xf32>,
        %slice3A_253 = vector.extract_strided_slice %get3A_135 {offsets = [8], sizes = [1], strides = [1]} : vector<16xf32> to vector<1xf32>
        %squeeze3A_254 = vector.extract %slice3A_253[0] : f32 from vector<1xf32>
        %add3A_255 = vector.broadcast %squeeze3A_254 : f32 to vector<16xf32>
        %add3A_256 = arith.addf %broadcast_in_dim3A_27, %add3A_255 : vector<16xf32>
        %mul3A_257 = arith.constant 16 : i32
        %mul3A_258 = arith.muli %add3A_128, %mul3A_257 : i32
        %add3A_259 = arith.constant 8 : i32
        %add3A_260 = arith.addi %mul3A_258, %add3A_259 : i32
        %swap3A_261 = arith.constant 0 : i32
        %swap3A_262 = tpu.memref_slice %arg8[%add3A_260, %swap3A_261] : memref<80x16xf32, #tpu.memory_space<vmem>> -> memref<1x16xf32, #tpu.memory_space<vmem>>
        %swap3A_263 = tpu.memref_squeeze %swap3A_262 : memref<1x16xf32, #tpu.memory_space<vmem>> -> memref<16xf32, #tpu.memory_space<vmem>>
        %swap3A_264 = arith.constant 0 : index
        %swap3A_265 = tpu.vector_load %swap3A_263[%swap3A_264] {strides = array<i32>} : memref<16xf32, #tpu.memory_space<vmem>>, vector<16xf32>,
        %swap3A_266 = vector.shape_cast %swap3A_265 : vector<16xf32> to vector<16xf32>
        %swap3A_267 = vector.shape_cast %add3A_256 : vector<16xf32> to vector<16xf32>
        tpu.vector_store %swap3A_263[%swap3A_264], %swap3A_267 {strides = array<i32>} : memref<16xf32, #tpu.memory_space<vmem>>, vector<16xf32>,
        %slice3A_268 = vector.extract_strided_slice %get3A_135 {offsets = [9], sizes = [1], strides = [1]} : vector<16xf32> to vector<1xf32>
        %squeeze3A_269 = vector.extract %slice3A_268[0] : f32 from vector<1xf32>
        %add3A_270 = vector.broadcast %squeeze3A_269 : f32 to vector<16xf32>
        %add3A_271 = arith.addf %broadcast_in_dim3A_27, %add3A_270 : vector<16xf32>
        %mul3A_272 = arith.constant 16 : i32
        %mul3A_273 = arith.muli %add3A_128, %mul3A_272 : i32
        %add3A_274 = arith.constant 9 : i32
        %add3A_275 = arith.addi %mul3A_273, %add3A_274 : i32
        %swap3A_276 = arith.constant 0 : i32
        %swap3A_277 = tpu.memref_slice %arg8[%add3A_275, %swap3A_276] : memref<80x16xf32, #tpu.memory_space<vmem>> -> memref<1x16xf32, #tpu.memory_space<vmem>>
        %swap3A_278 = tpu.memref_squeeze %swap3A_277 : memref<1x16xf32, #tpu.memory_space<vmem>> -> memref<16xf32, #tpu.memory_space<vmem>>
        %swap3A_279 = arith.constant 0 : index
        %swap3A_280 = tpu.vector_load %swap3A_278[%swap3A_279] {strides = array<i32>} : memref<16xf32, #tpu.memory_space<vmem>>, vector<16xf32>,
        %swap3A_281 = vector.shape_cast %swap3A_280 : vector<16xf32> to vector<16xf32>
        %swap3A_282 = vector.shape_cast %add3A_271 : vector<16xf32> to vector<16xf32>
        tpu.vector_store %swap3A_278[%swap3A_279], %swap3A_282 {strides = array<i32>} : memref<16xf32, #tpu.memory_space<vmem>>, vector<16xf32>,
        %slice3A_283 = vector.extract_strided_slice %get3A_135 {offsets = [10], sizes = [1], strides = [1]} : vector<16xf32> to vector<1xf32>
        %squeeze3A_284 = vector.extract %slice3A_283[0] : f32 from vector<1xf32>
        %add3A_285 = vector.broadcast %squeeze3A_284 : f32 to vector<16xf32>
        %add3A_286 = arith.addf %broadcast_in_dim3A_27, %add3A_285 : vector<16xf32>
        %mul3A_287 = arith.constant 16 : i32
        %mul3A_288 = arith.muli %add3A_128, %mul3A_287 : i32
        %add3A_289 = arith.constant 10 : i32
        %add3A_290 = arith.addi %mul3A_288, %add3A_289 : i32
        %swap3A_291 = arith.constant 0 : i32
        %swap3A_292 = tpu.memref_slice %arg8[%add3A_290, %swap3A_291] : memref<80x16xf32, #tpu.memory_space<vmem>> -> memref<1x16xf32, #tpu.memory_space<vmem>>
        %swap3A_293 = tpu.memref_squeeze %swap3A_292 : memref<1x16xf32, #tpu.memory_space<vmem>> -> memref<16xf32, #tpu.memory_space<vmem>>
        %swap3A_294 = arith.constant 0 : index
        %swap3A_295 = tpu.vector_load %swap3A_293[%swap3A_294] {strides = array<i32>} : memref<16xf32, #tpu.memory_space<vmem>>, vector<16xf32>,
        %swap3A_296 = vector.shape_cast %swap3A_295 : vector<16xf32> to vector<16xf32>
        %swap3A_297 = vector.shape_cast %add3A_286 : vector<16xf32> to vector<16xf32>
        tpu.vector_store %swap3A_293[%swap3A_294], %swap3A_297 {strides = array<i32>} : memref<16xf32, #tpu.memory_space<vmem>>, vector<16xf32>,
        %slice3A_298 = vector.extract_strided_slice %get3A_135 {offsets = [11], sizes = [1], strides = [1]} : vector<16xf32> to vector<1xf32>
        %squeeze3A_299 = vector.extract %slice3A_298[0] : f32 from vector<1xf32>
        %add3A_300 = vector.broadcast %squeeze3A_299 : f32 to vector<16xf32>
        %add3A_301 = arith.addf %broadcast_in_dim3A_27, %add3A_300 : vector<16xf32>
        %mul3A_302 = arith.constant 16 : i32
        %mul3A_303 = arith.muli %add3A_128, %mul3A_302 : i32
        %add3A_304 = arith.constant 11 : i32
        %add3A_305 = arith.addi %mul3A_303, %add3A_304 : i32
        %swap3A_306 = arith.constant 0 : i32
        %swap3A_307 = tpu.memref_slice %arg8[%add3A_305, %swap3A_306] : memref<80x16xf32, #tpu.memory_space<vmem>> -> memref<1x16xf32, #tpu.memory_space<vmem>>
        %swap3A_308 = tpu.memref_squeeze %swap3A_307 : memref<1x16xf32, #tpu.memory_space<vmem>> -> memref<16xf32, #tpu.memory_space<vmem>>
        %swap3A_309 = arith.constant 0 : index
        %swap3A_310 = tpu.vector_load %swap3A_308[%swap3A_309] {strides = array<i32>} : memref<16xf32, #tpu.memory_space<vmem>>, vector<16xf32>,
        %swap3A_311 = vector.shape_cast %swap3A_310 : vector<16xf32> to vector<16xf32>
        %swap3A_312 = vector.shape_cast %add3A_301 : vector<16xf32> to vector<16xf32>
        tpu.vector_store %swap3A_308[%swap3A_309], %swap3A_312 {strides = array<i32>} : memref<16xf32, #tpu.memory_space<vmem>>, vector<16xf32>,
        %slice3A_313 = vector.extract_strided_slice %get3A_135 {offsets = [12], sizes = [1], strides = [1]} : vector<16xf32> to vector<1xf32>
        %squeeze3A_314 = vector.extract %slice3A_313[0] : f32 from vector<1xf32>
        %add3A_315 = vector.broadcast %squeeze3A_314 : f32 to vector<16xf32>
        %add3A_316 = arith.addf %broadcast_in_dim3A_27, %add3A_315 : vector<16xf32>
        %mul3A_317 = arith.constant 16 : i32
        %mul3A_318 = arith.muli %add3A_128, %mul3A_317 : i32
        %add3A_319 = arith.constant 12 : i32
        %add3A_320 = arith.addi %mul3A_318, %add3A_319 : i32
        %swap3A_321 = arith.constant 0 : i32
        %swap3A_322 = tpu.memref_slice %arg8[%add3A_320, %swap3A_321] : memref<80x16xf32, #tpu.memory_space<vmem>> -> memref<1x16xf32, #tpu.memory_space<vmem>>
        %swap3A_323 = tpu.memref_squeeze %swap3A_322 : memref<1x16xf32, #tpu.memory_space<vmem>> -> memref<16xf32, #tpu.memory_space<vmem>>
        %swap3A_324 = arith.constant 0 : index
        %swap3A_325 = tpu.vector_load %swap3A_323[%swap3A_324] {strides = array<i32>} : memref<16xf32, #tpu.memory_space<vmem>>, vector<16xf32>,
        %swap3A_326 = vector.shape_cast %swap3A_325 : vector<16xf32> to vector<16xf32>
        %swap3A_327 = vector.shape_cast %add3A_316 : vector<16xf32> to vector<16xf32>
        tpu.vector_store %swap3A_323[%swap3A_324], %swap3A_327 {strides = array<i32>} : memref<16xf32, #tpu.memory_space<vmem>>, vector<16xf32>,
        %slice3A_328 = vector.extract_strided_slice %get3A_135 {offsets = [13], sizes = [1], strides = [1]} : vector<16xf32> to vector<1xf32>
        %squeeze3A_329 = vector.extract %slice3A_328[0] : f32 from vector<1xf32>
        %add3A_330 = vector.broadcast %squeeze3A_329 : f32 to vector<16xf32>
        %add3A_331 = arith.addf %broadcast_in_dim3A_27, %add3A_330 : vector<16xf32>
        %mul3A_332 = arith.constant 16 : i32
        %mul3A_333 = arith.muli %add3A_128, %mul3A_332 : i32
        %add3A_334 = arith.constant 13 : i32
        %add3A_335 = arith.addi %mul3A_333, %add3A_334 : i32
        %swap3A_336 = arith.constant 0 : i32
        %swap3A_337 = tpu.memref_slice %arg8[%add3A_335, %swap3A_336] : memref<80x16xf32, #tpu.memory_space<vmem>> -> memref<1x16xf32, #tpu.memory_space<vmem>>
        %swap3A_338 = tpu.memref_squeeze %swap3A_337 : memref<1x16xf32, #tpu.memory_space<vmem>> -> memref<16xf32, #tpu.memory_space<vmem>>
        %swap3A_339 = arith.constant 0 : index
        %swap3A_340 = tpu.vector_load %swap3A_338[%swap3A_339] {strides = array<i32>} : memref<16xf32, #tpu.memory_space<vmem>>, vector<16xf32>,
        %swap3A_341 = vector.shape_cast %swap3A_340 : vector<16xf32> to vector<16xf32>
        %swap3A_342 = vector.shape_cast %add3A_331 : vector<16xf32> to vector<16xf32>
        tpu.vector_store %swap3A_338[%swap3A_339], %swap3A_342 {strides = array<i32>} : memref<16xf32, #tpu.memory_space<vmem>>, vector<16xf32>,
        %slice3A_343 = vector.extract_strided_slice %get3A_135 {offsets = [14], sizes = [1], strides = [1]} : vector<16xf32> to vector<1xf32>
        %squeeze3A_344 = vector.extract %slice3A_343[0] : f32 from vector<1xf32>
        %add3A_345 = vector.broadcast %squeeze3A_344 : f32 to vector<16xf32>
        %add3A_346 = arith.addf %broadcast_in_dim3A_27, %add3A_345 : vector<16xf32>
        %mul3A_347 = arith.constant 16 : i32
        %mul3A_348 = arith.muli %add3A_128, %mul3A_347 : i32
        %add3A_349 = arith.constant 14 : i32
        %add3A_350 = arith.addi %mul3A_348, %add3A_349 : i32
        %swap3A_351 = arith.constant 0 : i32
        %swap3A_352 = tpu.memref_slice %arg8[%add3A_350, %swap3A_351] : memref<80x16xf32, #tpu.memory_space<vmem>> -> memref<1x16xf32, #tpu.memory_space<vmem>>
        %swap3A_353 = tpu.memref_squeeze %swap3A_352 : memref<1x16xf32, #tpu.memory_space<vmem>> -> memref<16xf32, #tpu.memory_space<vmem>>
        %swap3A_354 = arith.constant 0 : index
        %swap3A_355 = tpu.vector_load %swap3A_353[%swap3A_354] {strides = array<i32>} : memref<16xf32, #tpu.memory_space<vmem>>, vector<16xf32>,
        %swap3A_356 = vector.shape_cast %swap3A_355 : vector<16xf32> to vector<16xf32>
        %swap3A_357 = vector.shape_cast %add3A_346 : vector<16xf32> to vector<16xf32>
        tpu.vector_store %swap3A_353[%swap3A_354], %swap3A_357 {strides = array<i32>} : memref<16xf32, #tpu.memory_space<vmem>>, vector<16xf32>,
        %slice3A_358 = vector.extract_strided_slice %get3A_135 {offsets = [15], sizes = [1], strides = [1]} : vector<16xf32> to vector<1xf32>
        %squeeze3A_359 = vector.extract %slice3A_358[0] : f32 from vector<1xf32>
        %add3A_360 = vector.broadcast %squeeze3A_359 : f32 to vector<16xf32>
        %add3A_361 = arith.addf %broadcast_in_dim3A_27, %add3A_360 : vector<16xf32>
        %mul3A_362 = arith.constant 16 : i32
        %mul3A_363 = arith.muli %add3A_128, %mul3A_362 : i32
        %add3A_364 = arith.constant 15 : i32
        %add3A_365 = arith.addi %mul3A_363, %add3A_364 : i32
        %swap3A_366 = arith.constant 0 : i32
        %swap3A_367 = tpu.memref_slice %arg8[%add3A_365, %swap3A_366] : memref<80x16xf32, #tpu.memory_space<vmem>> -> memref<1x16xf32, #tpu.memory_space<vmem>>
        %swap3A_368 = tpu.memref_squeeze %swap3A_367 : memref<1x16xf32, #tpu.memory_space<vmem>> -> memref<16xf32, #tpu.memory_space<vmem>>
        %swap3A_369 = arith.constant 0 : index
        %swap3A_370 = tpu.vector_load %swap3A_368[%swap3A_369] {strides = array<i32>} : memref<16xf32, #tpu.memory_space<vmem>>, vector<16xf32>,
        %swap3A_371 = vector.shape_cast %swap3A_370 : vector<16xf32> to vector<16xf32>
        %swap3A_372 = vector.shape_cast %add3A_361 : vector<16xf32> to vector<16xf32>
        tpu.vector_store %swap3A_368[%swap3A_369], %swap3A_372 {strides = array<i32>} : memref<16xf32, #tpu.memory_space<vmem>>, vector<16xf32>,
      }
      %scan3A_97 = arith.constant 5 : i32
      %dma_start3A_98 = arith.constant 0 : i32
      %dma_start3A_99 = tpu.memref_slice %arg6[%mul3A_90, %dma_start3A_98] : memref<125x80xi32, #tpu.memory_space<vmem>> -> memref<1x80xi32, #tpu.memory_space<vmem>>
      %dma_start3A_100 = tpu.memref_squeeze %dma_start3A_99 : memref<1x80xi32, #tpu.memory_space<vmem>> -> memref<80xi32, #tpu.memory_space<vmem>>
      %dma_start3A_101 = arith.constant 0 : i32
      %dma_start3A_102 = arith.constant 0 : i32
      %dma_start3A_103 = tpu.memref_slice %arg5[%dma_start3A_101, %dma_start3A_102] : memref<10000x16xf32, #tpu.memory_space<vmem_shared>> -> memref<10000x16xf32, #tpu.memory_space<vmem_shared>>
      tpu.enqueue_indirect_dma source(%arg8 : memref<80x16xf32, #tpu.memory_space<vmem>>) target(%dma_start3A_103 : memref<10000x16xf32, #tpu.memory_space<vmem_shared>>) offsets(%dma_start3A_100 : memref<80xi32, #tpu.memory_space<vmem>>) semaphore(%arg11 : memref<!tpu.dma_semaphore, #tpu.memory_space<semaphore_mem>>) {add = true}
      %mul3A_104 = arith.constant 2 : i32
      %mul3A_105 = arith.muli %add3A_88, %mul3A_104 : i32
      %add3A_106 = arith.constant 1 : i32
      %add3A_107 = arith.addi %mul3A_105, %add3A_106 : i32
      %ge3A_108 = arith.constant 2 : i32
      %ge3A_109 = arith.cmpi sge, %add3A_107, %ge3A_108 : i32
      %convert_element_type3A_110 = arith.extui %ge3A_109 : i1 to i32
      %cond3A_111 = arith.constant 0 : i32
      %cond3A_112 = arith.cmpi ne, %convert_element_type3A_110, %cond3A_111 : i32
      scf.if %cond3A_112 {
        %sub3A_124 = arith.constant 2 : i32
        %sub3A_125 = arith.subi %add3A_107, %sub3A_124 : i32
        %dma_wait3A_126 = arith.constant 0 : i32
        %dma_wait3A_127 = tpu.memref_slice %arg6[%sub3A_125, %dma_wait3A_126] : memref<125x80xi32, #tpu.memory_space<vmem>> -> memref<1x80xi32, #tpu.memory_space<vmem>>
        %dma_wait3A_128 = tpu.memref_squeeze %dma_wait3A_127 : memref<1x80xi32, #tpu.memory_space<vmem>> -> memref<80xi32, #tpu.memory_space<vmem>>
        %dma_wait3A_129 = arith.constant 0 : i32
        %dma_wait3A_130 = arith.constant 0 : i32
        %dma_wait3A_131 = tpu.memref_slice %arg5[%dma_wait3A_129, %dma_wait3A_130] : memref<10000x16xf32, #tpu.memory_space<vmem_shared>> -> memref<10000x16xf32, #tpu.memory_space<vmem_shared>>
        tpu.wait_indirect_dma semaphore(%arg12 : memref<!tpu.dma_semaphore, #tpu.memory_space<semaphore_mem>>) src(%arg9 : memref<80x16xf32, #tpu.memory_space<vmem>>) dst(%dma_wait3A_131 : memref<10000x16xf32, #tpu.memory_space<vmem_shared>>)
      } else {
      }
      %scan3A_113 = arith.constant 0 : i32
      %scan3A_114 = arith.constant 5 : i32
      %scan3A_115 = arith.addi %scan3A_113, %scan3A_114 : i32
      %scan3A_116 = arith.constant 1 : i32
      scf.for %scan3A_124 = %scan3A_113 to %scan3A_115 step %scan3A_116  : i32 {
        %mul3A_125 = arith.constant 1 : i32
        %mul3A_126 = arith.muli %scan3A_124, %mul3A_125 : i32
        %add3A_127 = arith.constant 0 : i32
        %add3A_128 = arith.addi %add3A_127, %mul3A_126 : i32
        %mul3A_129 = arith.constant 16 : i32
        %mul3A_130 = arith.muli %add3A_128, %mul3A_129 : i32
        %get3A = arith.constant 0 : i32
        %get3A_131 = tpu.memref_slice %arg7[%add3A_107, %get3A] : memref<125x80xf32, #tpu.memory_space<vmem>> -> memref<1x80xf32, #tpu.memory_space<vmem>>
        %get3A_132 = tpu.memref_squeeze %get3A_131 : memref<1x80xf32, #tpu.memory_space<vmem>> -> memref<80xf32, #tpu.memory_space<vmem>>
        %get3A_133 = arith.index_cast %mul3A_130 : i32 to index
        %get3A_134 = tpu.vector_load %get3A_132[%get3A_133] {strides = array<i32>} : memref<80xf32, #tpu.memory_space<vmem>>, vector<16xf32>,
        %get3A_135 = vector.shape_cast %get3A_134 : vector<16xf32> to vector<16xf32>
        %slice3A = vector.extract_strided_slice %get3A_135 {offsets = [0], sizes = [1], strides = [1]} : vector<16xf32> to vector<1xf32>
        %squeeze3A = vector.extract %slice3A[0] : f32 from vector<1xf32>
        %add3A_136 = vector.broadcast %squeeze3A : f32 to vector<16xf32>
        %add3A_137 = arith.addf %broadcast_in_dim3A_27, %add3A_136 : vector<16xf32>
        %mul3A_138 = arith.constant 16 : i32
        %mul3A_139 = arith.muli %add3A_128, %mul3A_138 : i32
        %add3A_140 = arith.constant 0 : i32
        %add3A_141 = arith.addi %mul3A_139, %add3A_140 : i32
        %swap3A = arith.constant 0 : i32
        %swap3A_142 = tpu.memref_slice %arg9[%add3A_141, %swap3A] : memref<80x16xf32, #tpu.memory_space<vmem>> -> memref<1x16xf32, #tpu.memory_space<vmem>>
        %swap3A_143 = tpu.memref_squeeze %swap3A_142 : memref<1x16xf32, #tpu.memory_space<vmem>> -> memref<16xf32, #tpu.memory_space<vmem>>
        %swap3A_144 = arith.constant 0 : index
        %swap3A_145 = tpu.vector_load %swap3A_143[%swap3A_144] {strides = array<i32>} : memref<16xf32, #tpu.memory_space<vmem>>, vector<16xf32>,
        %swap3A_146 = vector.shape_cast %swap3A_145 : vector<16xf32> to vector<16xf32>
        %swap3A_147 = vector.shape_cast %add3A_137 : vector<16xf32> to vector<16xf32>
        tpu.vector_store %swap3A_143[%swap3A_144], %swap3A_147 {strides = array<i32>} : memref<16xf32, #tpu.memory_space<vmem>>, vector<16xf32>,
        %slice3A_148 = vector.extract_strided_slice %get3A_135 {offsets = [1], sizes = [1], strides = [1]} : vector<16xf32> to vector<1xf32>
        %squeeze3A_149 = vector.extract %slice3A_148[0] : f32 from vector<1xf32>
        %add3A_150 = vector.broadcast %squeeze3A_149 : f32 to vector<16xf32>
        %add3A_151 = arith.addf %broadcast_in_dim3A_27, %add3A_150 : vector<16xf32>
        %mul3A_152 = arith.constant 16 : i32
        %mul3A_153 = arith.muli %add3A_128, %mul3A_152 : i32
        %add3A_154 = arith.constant 1 : i32
        %add3A_155 = arith.addi %mul3A_153, %add3A_154 : i32
        %swap3A_156 = arith.constant 0 : i32
        %swap3A_157 = tpu.memref_slice %arg9[%add3A_155, %swap3A_156] : memref<80x16xf32, #tpu.memory_space<vmem>> -> memref<1x16xf32, #tpu.memory_space<vmem>>
        %swap3A_158 = tpu.memref_squeeze %swap3A_157 : memref<1x16xf32, #tpu.memory_space<vmem>> -> memref<16xf32, #tpu.memory_space<vmem>>
        %swap3A_159 = arith.constant 0 : index
        %swap3A_160 = tpu.vector_load %swap3A_158[%swap3A_159] {strides = array<i32>} : memref<16xf32, #tpu.memory_space<vmem>>, vector<16xf32>,
        %swap3A_161 = vector.shape_cast %swap3A_160 : vector<16xf32> to vector<16xf32>
        %swap3A_162 = vector.shape_cast %add3A_151 : vector<16xf32> to vector<16xf32>
        tpu.vector_store %swap3A_158[%swap3A_159], %swap3A_162 {strides = array<i32>} : memref<16xf32, #tpu.memory_space<vmem>>, vector<16xf32>,
        %slice3A_163 = vector.extract_strided_slice %get3A_135 {offsets = [2], sizes = [1], strides = [1]} : vector<16xf32> to vector<1xf32>
        %squeeze3A_164 = vector.extract %slice3A_163[0] : f32 from vector<1xf32>
        %add3A_165 = vector.broadcast %squeeze3A_164 : f32 to vector<16xf32>
        %add3A_166 = arith.addf %broadcast_in_dim3A_27, %add3A_165 : vector<16xf32>
        %mul3A_167 = arith.constant 16 : i32
        %mul3A_168 = arith.muli %add3A_128, %mul3A_167 : i32
        %add3A_169 = arith.constant 2 : i32
        %add3A_170 = arith.addi %mul3A_168, %add3A_169 : i32
        %swap3A_171 = arith.constant 0 : i32
        %swap3A_172 = tpu.memref_slice %arg9[%add3A_170, %swap3A_171] : memref<80x16xf32, #tpu.memory_space<vmem>> -> memref<1x16xf32, #tpu.memory_space<vmem>>
        %swap3A_173 = tpu.memref_squeeze %swap3A_172 : memref<1x16xf32, #tpu.memory_space<vmem>> -> memref<16xf32, #tpu.memory_space<vmem>>
        %swap3A_174 = arith.constant 0 : index
        %swap3A_175 = tpu.vector_load %swap3A_173[%swap3A_174] {strides = array<i32>} : memref<16xf32, #tpu.memory_space<vmem>>, vector<16xf32>,
        %swap3A_176 = vector.shape_cast %swap3A_175 : vector<16xf32> to vector<16xf32>
        %swap3A_177 = vector.shape_cast %add3A_166 : vector<16xf32> to vector<16xf32>
        tpu.vector_store %swap3A_173[%swap3A_174], %swap3A_177 {strides = array<i32>} : memref<16xf32, #tpu.memory_space<vmem>>, vector<16xf32>,
        %slice3A_178 = vector.extract_strided_slice %get3A_135 {offsets = [3], sizes = [1], strides = [1]} : vector<16xf32> to vector<1xf32>
        %squeeze3A_179 = vector.extract %slice3A_178[0] : f32 from vector<1xf32>
        %add3A_180 = vector.broadcast %squeeze3A_179 : f32 to vector<16xf32>
        %add3A_181 = arith.addf %broadcast_in_dim3A_27, %add3A_180 : vector<16xf32>
        %mul3A_182 = arith.constant 16 : i32
        %mul3A_183 = arith.muli %add3A_128, %mul3A_182 : i32
        %add3A_184 = arith.constant 3 : i32
        %add3A_185 = arith.addi %mul3A_183, %add3A_184 : i32
        %swap3A_186 = arith.constant 0 : i32
        %swap3A_187 = tpu.memref_slice %arg9[%add3A_185, %swap3A_186] : memref<80x16xf32, #tpu.memory_space<vmem>> -> memref<1x16xf32, #tpu.memory_space<vmem>>
        %swap3A_188 = tpu.memref_squeeze %swap3A_187 : memref<1x16xf32, #tpu.memory_space<vmem>> -> memref<16xf32, #tpu.memory_space<vmem>>
        %swap3A_189 = arith.constant 0 : index
        %swap3A_190 = tpu.vector_load %swap3A_188[%swap3A_189] {strides = array<i32>} : memref<16xf32, #tpu.memory_space<vmem>>, vector<16xf32>,
        %swap3A_191 = vector.shape_cast %swap3A_190 : vector<16xf32> to vector<16xf32>
        %swap3A_192 = vector.shape_cast %add3A_181 : vector<16xf32> to vector<16xf32>
        tpu.vector_store %swap3A_188[%swap3A_189], %swap3A_192 {strides = array<i32>} : memref<16xf32, #tpu.memory_space<vmem>>, vector<16xf32>,
        %slice3A_193 = vector.extract_strided_slice %get3A_135 {offsets = [4], sizes = [1], strides = [1]} : vector<16xf32> to vector<1xf32>
        %squeeze3A_194 = vector.extract %slice3A_193[0] : f32 from vector<1xf32>
        %add3A_195 = vector.broadcast %squeeze3A_194 : f32 to vector<16xf32>
        %add3A_196 = arith.addf %broadcast_in_dim3A_27, %add3A_195 : vector<16xf32>
        %mul3A_197 = arith.constant 16 : i32
        %mul3A_198 = arith.muli %add3A_128, %mul3A_197 : i32
        %add3A_199 = arith.constant 4 : i32
        %add3A_200 = arith.addi %mul3A_198, %add3A_199 : i32
        %swap3A_201 = arith.constant 0 : i32
        %swap3A_202 = tpu.memref_slice %arg9[%add3A_200, %swap3A_201] : memref<80x16xf32, #tpu.memory_space<vmem>> -> memref<1x16xf32, #tpu.memory_space<vmem>>
        %swap3A_203 = tpu.memref_squeeze %swap3A_202 : memref<1x16xf32, #tpu.memory_space<vmem>> -> memref<16xf32, #tpu.memory_space<vmem>>
        %swap3A_204 = arith.constant 0 : index
        %swap3A_205 = tpu.vector_load %swap3A_203[%swap3A_204] {strides = array<i32>} : memref<16xf32, #tpu.memory_space<vmem>>, vector<16xf32>,
        %swap3A_206 = vector.shape_cast %swap3A_205 : vector<16xf32> to vector<16xf32>
        %swap3A_207 = vector.shape_cast %add3A_196 : vector<16xf32> to vector<16xf32>
        tpu.vector_store %swap3A_203[%swap3A_204], %swap3A_207 {strides = array<i32>} : memref<16xf32, #tpu.memory_space<vmem>>, vector<16xf32>,
        %slice3A_208 = vector.extract_strided_slice %get3A_135 {offsets = [5], sizes = [1], strides = [1]} : vector<16xf32> to vector<1xf32>
        %squeeze3A_209 = vector.extract %slice3A_208[0] : f32 from vector<1xf32>
        %add3A_210 = vector.broadcast %squeeze3A_209 : f32 to vector<16xf32>
        %add3A_211 = arith.addf %broadcast_in_dim3A_27, %add3A_210 : vector<16xf32>
        %mul3A_212 = arith.constant 16 : i32
        %mul3A_213 = arith.muli %add3A_128, %mul3A_212 : i32
        %add3A_214 = arith.constant 5 : i32
        %add3A_215 = arith.addi %mul3A_213, %add3A_214 : i32
        %swap3A_216 = arith.constant 0 : i32
        %swap3A_217 = tpu.memref_slice %arg9[%add3A_215, %swap3A_216] : memref<80x16xf32, #tpu.memory_space<vmem>> -> memref<1x16xf32, #tpu.memory_space<vmem>>
        %swap3A_218 = tpu.memref_squeeze %swap3A_217 : memref<1x16xf32, #tpu.memory_space<vmem>> -> memref<16xf32, #tpu.memory_space<vmem>>
        %swap3A_219 = arith.constant 0 : index
        %swap3A_220 = tpu.vector_load %swap3A_218[%swap3A_219] {strides = array<i32>} : memref<16xf32, #tpu.memory_space<vmem>>, vector<16xf32>,
        %swap3A_221 = vector.shape_cast %swap3A_220 : vector<16xf32> to vector<16xf32>
        %swap3A_222 = vector.shape_cast %add3A_211 : vector<16xf32> to vector<16xf32>
        tpu.vector_store %swap3A_218[%swap3A_219], %swap3A_222 {strides = array<i32>} : memref<16xf32, #tpu.memory_space<vmem>>, vector<16xf32>,
        %slice3A_223 = vector.extract_strided_slice %get3A_135 {offsets = [6], sizes = [1], strides = [1]} : vector<16xf32> to vector<1xf32>
        %squeeze3A_224 = vector.extract %slice3A_223[0] : f32 from vector<1xf32>
        %add3A_225 = vector.broadcast %squeeze3A_224 : f32 to vector<16xf32>
        %add3A_226 = arith.addf %broadcast_in_dim3A_27, %add3A_225 : vector<16xf32>
        %mul3A_227 = arith.constant 16 : i32
        %mul3A_228 = arith.muli %add3A_128, %mul3A_227 : i32
        %add3A_229 = arith.constant 6 : i32
        %add3A_230 = arith.addi %mul3A_228, %add3A_229 : i32
        %swap3A_231 = arith.constant 0 : i32
        %swap3A_232 = tpu.memref_slice %arg9[%add3A_230, %swap3A_231] : memref<80x16xf32, #tpu.memory_space<vmem>> -> memref<1x16xf32, #tpu.memory_space<vmem>>
        %swap3A_233 = tpu.memref_squeeze %swap3A_232 : memref<1x16xf32, #tpu.memory_space<vmem>> -> memref<16xf32, #tpu.memory_space<vmem>>
        %swap3A_234 = arith.constant 0 : index
        %swap3A_235 = tpu.vector_load %swap3A_233[%swap3A_234] {strides = array<i32>} : memref<16xf32, #tpu.memory_space<vmem>>, vector<16xf32>,
        %swap3A_236 = vector.shape_cast %swap3A_235 : vector<16xf32> to vector<16xf32>
        %swap3A_237 = vector.shape_cast %add3A_226 : vector<16xf32> to vector<16xf32>
        tpu.vector_store %swap3A_233[%swap3A_234], %swap3A_237 {strides = array<i32>} : memref<16xf32, #tpu.memory_space<vmem>>, vector<16xf32>,
        %slice3A_238 = vector.extract_strided_slice %get3A_135 {offsets = [7], sizes = [1], strides = [1]} : vector<16xf32> to vector<1xf32>
        %squeeze3A_239 = vector.extract %slice3A_238[0] : f32 from vector<1xf32>
        %add3A_240 = vector.broadcast %squeeze3A_239 : f32 to vector<16xf32>
        %add3A_241 = arith.addf %broadcast_in_dim3A_27, %add3A_240 : vector<16xf32>
        %mul3A_242 = arith.constant 16 : i32
        %mul3A_243 = arith.muli %add3A_128, %mul3A_242 : i32
        %add3A_244 = arith.constant 7 : i32
        %add3A_245 = arith.addi %mul3A_243, %add3A_244 : i32
        %swap3A_246 = arith.constant 0 : i32
        %swap3A_247 = tpu.memref_slice %arg9[%add3A_245, %swap3A_246] : memref<80x16xf32, #tpu.memory_space<vmem>> -> memref<1x16xf32, #tpu.memory_space<vmem>>
        %swap3A_248 = tpu.memref_squeeze %swap3A_247 : memref<1x16xf32, #tpu.memory_space<vmem>> -> memref<16xf32, #tpu.memory_space<vmem>>
        %swap3A_249 = arith.constant 0 : index
        %swap3A_250 = tpu.vector_load %swap3A_248[%swap3A_249] {strides = array<i32>} : memref<16xf32, #tpu.memory_space<vmem>>, vector<16xf32>,
        %swap3A_251 = vector.shape_cast %swap3A_250 : vector<16xf32> to vector<16xf32>
        %swap3A_252 = vector.shape_cast %add3A_241 : vector<16xf32> to vector<16xf32>
        tpu.vector_store %swap3A_248[%swap3A_249], %swap3A_252 {strides = array<i32>} : memref<16xf32, #tpu.memory_space<vmem>>, vector<16xf32>,
        %slice3A_253 = vector.extract_strided_slice %get3A_135 {offsets = [8], sizes = [1], strides = [1]} : vector<16xf32> to vector<1xf32>
        %squeeze3A_254 = vector.extract %slice3A_253[0] : f32 from vector<1xf32>
        %add3A_255 = vector.broadcast %squeeze3A_254 : f32 to vector<16xf32>
        %add3A_256 = arith.addf %broadcast_in_dim3A_27, %add3A_255 : vector<16xf32>
        %mul3A_257 = arith.constant 16 : i32
        %mul3A_258 = arith.muli %add3A_128, %mul3A_257 : i32
        %add3A_259 = arith.constant 8 : i32
        %add3A_260 = arith.addi %mul3A_258, %add3A_259 : i32
        %swap3A_261 = arith.constant 0 : i32
        %swap3A_262 = tpu.memref_slice %arg9[%add3A_260, %swap3A_261] : memref<80x16xf32, #tpu.memory_space<vmem>> -> memref<1x16xf32, #tpu.memory_space<vmem>>
        %swap3A_263 = tpu.memref_squeeze %swap3A_262 : memref<1x16xf32, #tpu.memory_space<vmem>> -> memref<16xf32, #tpu.memory_space<vmem>>
        %swap3A_264 = arith.constant 0 : index
        %swap3A_265 = tpu.vector_load %swap3A_263[%swap3A_264] {strides = array<i32>} : memref<16xf32, #tpu.memory_space<vmem>>, vector<16xf32>,
        %swap3A_266 = vector.shape_cast %swap3A_265 : vector<16xf32> to vector<16xf32>
        %swap3A_267 = vector.shape_cast %add3A_256 : vector<16xf32> to vector<16xf32>
        tpu.vector_store %swap3A_263[%swap3A_264], %swap3A_267 {strides = array<i32>} : memref<16xf32, #tpu.memory_space<vmem>>, vector<16xf32>,
        %slice3A_268 = vector.extract_strided_slice %get3A_135 {offsets = [9], sizes = [1], strides = [1]} : vector<16xf32> to vector<1xf32>
        %squeeze3A_269 = vector.extract %slice3A_268[0] : f32 from vector<1xf32>
        %add3A_270 = vector.broadcast %squeeze3A_269 : f32 to vector<16xf32>
        %add3A_271 = arith.addf %broadcast_in_dim3A_27, %add3A_270 : vector<16xf32>
        %mul3A_272 = arith.constant 16 : i32
        %mul3A_273 = arith.muli %add3A_128, %mul3A_272 : i32
        %add3A_274 = arith.constant 9 : i32
        %add3A_275 = arith.addi %mul3A_273, %add3A_274 : i32
        %swap3A_276 = arith.constant 0 : i32
        %swap3A_277 = tpu.memref_slice %arg9[%add3A_275, %swap3A_276] : memref<80x16xf32, #tpu.memory_space<vmem>> -> memref<1x16xf32, #tpu.memory_space<vmem>>
        %swap3A_278 = tpu.memref_squeeze %swap3A_277 : memref<1x16xf32, #tpu.memory_space<vmem>> -> memref<16xf32, #tpu.memory_space<vmem>>
        %swap3A_279 = arith.constant 0 : index
        %swap3A_280 = tpu.vector_load %swap3A_278[%swap3A_279] {strides = array<i32>} : memref<16xf32, #tpu.memory_space<vmem>>, vector<16xf32>,
        %swap3A_281 = vector.shape_cast %swap3A_280 : vector<16xf32> to vector<16xf32>
        %swap3A_282 = vector.shape_cast %add3A_271 : vector<16xf32> to vector<16xf32>
        tpu.vector_store %swap3A_278[%swap3A_279], %swap3A_282 {strides = array<i32>} : memref<16xf32, #tpu.memory_space<vmem>>, vector<16xf32>,
        %slice3A_283 = vector.extract_strided_slice %get3A_135 {offsets = [10], sizes = [1], strides = [1]} : vector<16xf32> to vector<1xf32>
        %squeeze3A_284 = vector.extract %slice3A_283[0] : f32 from vector<1xf32>
        %add3A_285 = vector.broadcast %squeeze3A_284 : f32 to vector<16xf32>
        %add3A_286 = arith.addf %broadcast_in_dim3A_27, %add3A_285 : vector<16xf32>
        %mul3A_287 = arith.constant 16 : i32
        %mul3A_288 = arith.muli %add3A_128, %mul3A_287 : i32
        %add3A_289 = arith.constant 10 : i32
        %add3A_290 = arith.addi %mul3A_288, %add3A_289 : i32
        %swap3A_291 = arith.constant 0 : i32
        %swap3A_292 = tpu.memref_slice %arg9[%add3A_290, %swap3A_291] : memref<80x16xf32, #tpu.memory_space<vmem>> -> memref<1x16xf32, #tpu.memory_space<vmem>>
        %swap3A_293 = tpu.memref_squeeze %swap3A_292 : memref<1x16xf32, #tpu.memory_space<vmem>> -> memref<16xf32, #tpu.memory_space<vmem>>
        %swap3A_294 = arith.constant 0 : index
        %swap3A_295 = tpu.vector_load %swap3A_293[%swap3A_294] {strides = array<i32>} : memref<16xf32, #tpu.memory_space<vmem>>, vector<16xf32>,
        %swap3A_296 = vector.shape_cast %swap3A_295 : vector<16xf32> to vector<16xf32>
        %swap3A_297 = vector.shape_cast %add3A_286 : vector<16xf32> to vector<16xf32>
        tpu.vector_store %swap3A_293[%swap3A_294], %swap3A_297 {strides = array<i32>} : memref<16xf32, #tpu.memory_space<vmem>>, vector<16xf32>,
        %slice3A_298 = vector.extract_strided_slice %get3A_135 {offsets = [11], sizes = [1], strides = [1]} : vector<16xf32> to vector<1xf32>
        %squeeze3A_299 = vector.extract %slice3A_298[0] : f32 from vector<1xf32>
        %add3A_300 = vector.broadcast %squeeze3A_299 : f32 to vector<16xf32>
        %add3A_301 = arith.addf %broadcast_in_dim3A_27, %add3A_300 : vector<16xf32>
        %mul3A_302 = arith.constant 16 : i32
        %mul3A_303 = arith.muli %add3A_128, %mul3A_302 : i32
        %add3A_304 = arith.constant 11 : i32
        %add3A_305 = arith.addi %mul3A_303, %add3A_304 : i32
        %swap3A_306 = arith.constant 0 : i32
        %swap3A_307 = tpu.memref_slice %arg9[%add3A_305, %swap3A_306] : memref<80x16xf32, #tpu.memory_space<vmem>> -> memref<1x16xf32, #tpu.memory_space<vmem>>
        %swap3A_308 = tpu.memref_squeeze %swap3A_307 : memref<1x16xf32, #tpu.memory_space<vmem>> -> memref<16xf32, #tpu.memory_space<vmem>>
        %swap3A_309 = arith.constant 0 : index
        %swap3A_310 = tpu.vector_load %swap3A_308[%swap3A_309] {strides = array<i32>} : memref<16xf32, #tpu.memory_space<vmem>>, vector<16xf32>,
        %swap3A_311 = vector.shape_cast %swap3A_310 : vector<16xf32> to vector<16xf32>
        %swap3A_312 = vector.shape_cast %add3A_301 : vector<16xf32> to vector<16xf32>
        tpu.vector_store %swap3A_308[%swap3A_309], %swap3A_312 {strides = array<i32>} : memref<16xf32, #tpu.memory_space<vmem>>, vector<16xf32>,
        %slice3A_313 = vector.extract_strided_slice %get3A_135 {offsets = [12], sizes = [1], strides = [1]} : vector<16xf32> to vector<1xf32>
        %squeeze3A_314 = vector.extract %slice3A_313[0] : f32 from vector<1xf32>
        %add3A_315 = vector.broadcast %squeeze3A_314 : f32 to vector<16xf32>
        %add3A_316 = arith.addf %broadcast_in_dim3A_27, %add3A_315 : vector<16xf32>
        %mul3A_317 = arith.constant 16 : i32
        %mul3A_318 = arith.muli %add3A_128, %mul3A_317 : i32
        %add3A_319 = arith.constant 12 : i32
        %add3A_320 = arith.addi %mul3A_318, %add3A_319 : i32
        %swap3A_321 = arith.constant 0 : i32
        %swap3A_322 = tpu.memref_slice %arg9[%add3A_320, %swap3A_321] : memref<80x16xf32, #tpu.memory_space<vmem>> -> memref<1x16xf32, #tpu.memory_space<vmem>>
        %swap3A_323 = tpu.memref_squeeze %swap3A_322 : memref<1x16xf32, #tpu.memory_space<vmem>> -> memref<16xf32, #tpu.memory_space<vmem>>
        %swap3A_324 = arith.constant 0 : index
        %swap3A_325 = tpu.vector_load %swap3A_323[%swap3A_324] {strides = array<i32>} : memref<16xf32, #tpu.memory_space<vmem>>, vector<16xf32>,
        %swap3A_326 = vector.shape_cast %swap3A_325 : vector<16xf32> to vector<16xf32>
        %swap3A_327 = vector.shape_cast %add3A_316 : vector<16xf32> to vector<16xf32>
        tpu.vector_store %swap3A_323[%swap3A_324], %swap3A_327 {strides = array<i32>} : memref<16xf32, #tpu.memory_space<vmem>>, vector<16xf32>,
        %slice3A_328 = vector.extract_strided_slice %get3A_135 {offsets = [13], sizes = [1], strides = [1]} : vector<16xf32> to vector<1xf32>
        %squeeze3A_329 = vector.extract %slice3A_328[0] : f32 from vector<1xf32>
        %add3A_330 = vector.broadcast %squeeze3A_329 : f32 to vector<16xf32>
        %add3A_331 = arith.addf %broadcast_in_dim3A_27, %add3A_330 : vector<16xf32>
        %mul3A_332 = arith.constant 16 : i32
        %mul3A_333 = arith.muli %add3A_128, %mul3A_332 : i32
        %add3A_334 = arith.constant 13 : i32
        %add3A_335 = arith.addi %mul3A_333, %add3A_334 : i32
        %swap3A_336 = arith.constant 0 : i32
        %swap3A_337 = tpu.memref_slice %arg9[%add3A_335, %swap3A_336] : memref<80x16xf32, #tpu.memory_space<vmem>> -> memref<1x16xf32, #tpu.memory_space<vmem>>
        %swap3A_338 = tpu.memref_squeeze %swap3A_337 : memref<1x16xf32, #tpu.memory_space<vmem>> -> memref<16xf32, #tpu.memory_space<vmem>>
        %swap3A_339 = arith.constant 0 : index
        %swap3A_340 = tpu.vector_load %swap3A_338[%swap3A_339] {strides = array<i32>} : memref<16xf32, #tpu.memory_space<vmem>>, vector<16xf32>,
        %swap3A_341 = vector.shape_cast %swap3A_340 : vector<16xf32> to vector<16xf32>
        %swap3A_342 = vector.shape_cast %add3A_331 : vector<16xf32> to vector<16xf32>
        tpu.vector_store %swap3A_338[%swap3A_339], %swap3A_342 {strides = array<i32>} : memref<16xf32, #tpu.memory_space<vmem>>, vector<16xf32>,
        %slice3A_343 = vector.extract_strided_slice %get3A_135 {offsets = [14], sizes = [1], strides = [1]} : vector<16xf32> to vector<1xf32>
        %squeeze3A_344 = vector.extract %slice3A_343[0] : f32 from vector<1xf32>
        %add3A_345 = vector.broadcast %squeeze3A_344 : f32 to vector<16xf32>
        %add3A_346 = arith.addf %broadcast_in_dim3A_27, %add3A_345 : vector<16xf32>
        %mul3A_347 = arith.constant 16 : i32
        %mul3A_348 = arith.muli %add3A_128, %mul3A_347 : i32
        %add3A_349 = arith.constant 14 : i32
        %add3A_350 = arith.addi %mul3A_348, %add3A_349 : i32
        %swap3A_351 = arith.constant 0 : i32
        %swap3A_352 = tpu.memref_slice %arg9[%add3A_350, %swap3A_351] : memref<80x16xf32, #tpu.memory_space<vmem>> -> memref<1x16xf32, #tpu.memory_space<vmem>>
        %swap3A_353 = tpu.memref_squeeze %swap3A_352 : memref<1x16xf32, #tpu.memory_space<vmem>> -> memref<16xf32, #tpu.memory_space<vmem>>
        %swap3A_354 = arith.constant 0 : index
        %swap3A_355 = tpu.vector_load %swap3A_353[%swap3A_354] {strides = array<i32>} : memref<16xf32, #tpu.memory_space<vmem>>, vector<16xf32>,
        %swap3A_356 = vector.shape_cast %swap3A_355 : vector<16xf32> to vector<16xf32>
        %swap3A_357 = vector.shape_cast %add3A_346 : vector<16xf32> to vector<16xf32>
        tpu.vector_store %swap3A_353[%swap3A_354], %swap3A_357 {strides = array<i32>} : memref<16xf32, #tpu.memory_space<vmem>>, vector<16xf32>,
        %slice3A_358 = vector.extract_strided_slice %get3A_135 {offsets = [15], sizes = [1], strides = [1]} : vector<16xf32> to vector<1xf32>
        %squeeze3A_359 = vector.extract %slice3A_358[0] : f32 from vector<1xf32>
        %add3A_360 = vector.broadcast %squeeze3A_359 : f32 to vector<16xf32>
        %add3A_361 = arith.addf %broadcast_in_dim3A_27, %add3A_360 : vector<16xf32>
        %mul3A_362 = arith.constant 16 : i32
        %mul3A_363 = arith.muli %add3A_128, %mul3A_362 : i32
        %add3A_364 = arith.constant 15 : i32
        %add3A_365 = arith.addi %mul3A_363, %add3A_364 : i32
        %swap3A_366 = arith.constant 0 : i32
        %swap3A_367 = tpu.memref_slice %arg9[%add3A_365, %swap3A_366] : memref<80x16xf32, #tpu.memory_space<vmem>> -> memref<1x16xf32, #tpu.memory_space<vmem>>
        %swap3A_368 = tpu.memref_squeeze %swap3A_367 : memref<1x16xf32, #tpu.memory_space<vmem>> -> memref<16xf32, #tpu.memory_space<vmem>>
        %swap3A_369 = arith.constant 0 : index
        %swap3A_370 = tpu.vector_load %swap3A_368[%swap3A_369] {strides = array<i32>} : memref<16xf32, #tpu.memory_space<vmem>>, vector<16xf32>,
        %swap3A_371 = vector.shape_cast %swap3A_370 : vector<16xf32> to vector<16xf32>
        %swap3A_372 = vector.shape_cast %add3A_361 : vector<16xf32> to vector<16xf32>
        tpu.vector_store %swap3A_368[%swap3A_369], %swap3A_372 {strides = array<i32>} : memref<16xf32, #tpu.memory_space<vmem>>, vector<16xf32>,
      }
      %scan3A_117 = arith.constant 5 : i32
      %dma_start3A_118 = arith.constant 0 : i32
      %dma_start3A_119 = tpu.memref_slice %arg6[%add3A_107, %dma_start3A_118] : memref<125x80xi32, #tpu.memory_space<vmem>> -> memref<1x80xi32, #tpu.memory_space<vmem>>
      %dma_start3A_120 = tpu.memref_squeeze %dma_start3A_119 : memref<1x80xi32, #tpu.memory_space<vmem>> -> memref<80xi32, #tpu.memory_space<vmem>>
      %dma_start3A_121 = arith.constant 0 : i32
      %dma_start3A_122 = arith.constant 0 : i32
      %dma_start3A_123 = tpu.memref_slice %arg5[%dma_start3A_121, %dma_start3A_122] : memref<10000x16xf32, #tpu.memory_space<vmem_shared>> -> memref<10000x16xf32, #tpu.memory_space<vmem_shared>>
      tpu.enqueue_indirect_dma source(%arg9 : memref<80x16xf32, #tpu.memory_space<vmem>>) target(%dma_start3A_123 : memref<10000x16xf32, #tpu.memory_space<vmem_shared>>) offsets(%dma_start3A_120 : memref<80xi32, #tpu.memory_space<vmem>>) semaphore(%arg12 : memref<!tpu.dma_semaphore, #tpu.memory_space<semaphore_mem>>) {add = true}
    }
    %scan3A_32 = arith.constant 62 : i32
    %dma_wait3A = arith.constant 122 : i32
    %dma_wait3A_33 = arith.constant 0 : i32
    %dma_wait3A_34 = tpu.memref_slice %arg6[%dma_wait3A, %dma_wait3A_33] : memref<125x80xi32, #tpu.memory_space<vmem>> -> memref<1x80xi32, #tpu.memory_space<vmem>>
    %dma_wait3A_35 = tpu.memref_squeeze %dma_wait3A_34 : memref<1x80xi32, #tpu.memory_space<vmem>> -> memref<80xi32, #tpu.memory_space<vmem>>
    %dma_wait3A_36 = arith.constant 0 : i32
    %dma_wait3A_37 = arith.constant 0 : i32
    %dma_wait3A_38 = tpu.memref_slice %arg5[%dma_wait3A_36, %dma_wait3A_37] : memref<10000x16xf32, #tpu.memory_space<vmem_shared>> -> memref<10000x16xf32, #tpu.memory_space<vmem_shared>>
    tpu.wait_indirect_dma semaphore(%arg11 : memref<!tpu.dma_semaphore, #tpu.memory_space<semaphore_mem>>) src(%arg8 : memref<80x16xf32, #tpu.memory_space<vmem>>) dst(%dma_wait3A_38 : memref<10000x16xf32, #tpu.memory_space<vmem_shared>>)
    %scan3A_39 = arith.constant 0 : i32
    %scan3A_40 = arith.constant 5 : i32
    %scan3A_41 = arith.addi %scan3A_39, %scan3A_40 : i32
    %scan3A_42 = arith.constant 1 : i32
    scf.for %scan3A_84 = %scan3A_39 to %scan3A_41 step %scan3A_42  : i32 {
      %mul3A_85 = arith.constant 1 : i32
      %mul3A_86 = arith.muli %scan3A_84, %mul3A_85 : i32
      %add3A_87 = arith.constant 0 : i32
      %add3A_88 = arith.addi %add3A_87, %mul3A_86 : i32
      %mul3A_89 = arith.constant 16 : i32
      %mul3A_90 = arith.muli %add3A_88, %mul3A_89 : i32
      %get3A = arith.constant 124 : i32
      %get3A_91 = arith.constant 0 : i32
      %get3A_92 = tpu.memref_slice %arg7[%get3A, %get3A_91] : memref<125x80xf32, #tpu.memory_space<vmem>> -> memref<1x80xf32, #tpu.memory_space<vmem>>
      %get3A_93 = tpu.memref_squeeze %get3A_92 : memref<1x80xf32, #tpu.memory_space<vmem>> -> memref<80xf32, #tpu.memory_space<vmem>>
      %get3A_94 = arith.index_cast %mul3A_90 : i32 to index
      %get3A_95 = tpu.vector_load %get3A_93[%get3A_94] {strides = array<i32>} : memref<80xf32, #tpu.memory_space<vmem>>, vector<16xf32>,
      %get3A_96 = vector.shape_cast %get3A_95 : vector<16xf32> to vector<16xf32>
      %slice3A = vector.extract_strided_slice %get3A_96 {offsets = [0], sizes = [1], strides = [1]} : vector<16xf32> to vector<1xf32>
      %squeeze3A = vector.extract %slice3A[0] : f32 from vector<1xf32>
      %add3A_97 = vector.broadcast %squeeze3A : f32 to vector<16xf32>
      %add3A_98 = arith.addf %broadcast_in_dim3A_27, %add3A_97 : vector<16xf32>
      %mul3A_99 = arith.constant 16 : i32
      %mul3A_100 = arith.muli %add3A_88, %mul3A_99 : i32
      %add3A_101 = arith.constant 0 : i32
      %add3A_102 = arith.addi %mul3A_100, %add3A_101 : i32
      %swap3A = arith.constant 0 : i32
      %swap3A_103 = tpu.memref_slice %arg8[%add3A_102, %swap3A] : memref<80x16xf32, #tpu.memory_space<vmem>> -> memref<1x16xf32, #tpu.memory_space<vmem>>
      %swap3A_104 = tpu.memref_squeeze %swap3A_103 : memref<1x16xf32, #tpu.memory_space<vmem>> -> memref<16xf32, #tpu.memory_space<vmem>>
      %swap3A_105 = arith.constant 0 : index
      %swap3A_106 = tpu.vector_load %swap3A_104[%swap3A_105] {strides = array<i32>} : memref<16xf32, #tpu.memory_space<vmem>>, vector<16xf32>,
      %swap3A_107 = vector.shape_cast %swap3A_106 : vector<16xf32> to vector<16xf32>
      %swap3A_108 = vector.shape_cast %add3A_98 : vector<16xf32> to vector<16xf32>
      tpu.vector_store %swap3A_104[%swap3A_105], %swap3A_108 {strides = array<i32>} : memref<16xf32, #tpu.memory_space<vmem>>, vector<16xf32>,
      %slice3A_109 = vector.extract_strided_slice %get3A_96 {offsets = [1], sizes = [1], strides = [1]} : vector<16xf32> to vector<1xf32>
      %squeeze3A_110 = vector.extract %slice3A_109[0] : f32 from vector<1xf32>
      %add3A_111 = vector.broadcast %squeeze3A_110 : f32 to vector<16xf32>
      %add3A_112 = arith.addf %broadcast_in_dim3A_27, %add3A_111 : vector<16xf32>
      %mul3A_113 = arith.constant 16 : i32
      %mul3A_114 = arith.muli %add3A_88, %mul3A_113 : i32
      %add3A_115 = arith.constant 1 : i32
      %add3A_116 = arith.addi %mul3A_114, %add3A_115 : i32
      %swap3A_117 = arith.constant 0 : i32
      %swap3A_118 = tpu.memref_slice %arg8[%add3A_116, %swap3A_117] : memref<80x16xf32, #tpu.memory_space<vmem>> -> memref<1x16xf32, #tpu.memory_space<vmem>>
      %swap3A_119 = tpu.memref_squeeze %swap3A_118 : memref<1x16xf32, #tpu.memory_space<vmem>> -> memref<16xf32, #tpu.memory_space<vmem>>
      %swap3A_120 = arith.constant 0 : index
      %swap3A_121 = tpu.vector_load %swap3A_119[%swap3A_120] {strides = array<i32>} : memref<16xf32, #tpu.memory_space<vmem>>, vector<16xf32>,
      %swap3A_122 = vector.shape_cast %swap3A_121 : vector<16xf32> to vector<16xf32>
      %swap3A_123 = vector.shape_cast %add3A_112 : vector<16xf32> to vector<16xf32>
      tpu.vector_store %swap3A_119[%swap3A_120], %swap3A_123 {strides = array<i32>} : memref<16xf32, #tpu.memory_space<vmem>>, vector<16xf32>,
      %slice3A_124 = vector.extract_strided_slice %get3A_96 {offsets = [2], sizes = [1], strides = [1]} : vector<16xf32> to vector<1xf32>
      %squeeze3A_125 = vector.extract %slice3A_124[0] : f32 from vector<1xf32>
      %add3A_126 = vector.broadcast %squeeze3A_125 : f32 to vector<16xf32>
      %add3A_127 = arith.addf %broadcast_in_dim3A_27, %add3A_126 : vector<16xf32>
      %mul3A_128 = arith.constant 16 : i32
      %mul3A_129 = arith.muli %add3A_88, %mul3A_128 : i32
      %add3A_130 = arith.constant 2 : i32
      %add3A_131 = arith.addi %mul3A_129, %add3A_130 : i32
      %swap3A_132 = arith.constant 0 : i32
      %swap3A_133 = tpu.memref_slice %arg8[%add3A_131, %swap3A_132] : memref<80x16xf32, #tpu.memory_space<vmem>> -> memref<1x16xf32, #tpu.memory_space<vmem>>
      %swap3A_134 = tpu.memref_squeeze %swap3A_133 : memref<1x16xf32, #tpu.memory_space<vmem>> -> memref<16xf32, #tpu.memory_space<vmem>>
      %swap3A_135 = arith.constant 0 : index
      %swap3A_136 = tpu.vector_load %swap3A_134[%swap3A_135] {strides = array<i32>} : memref<16xf32, #tpu.memory_space<vmem>>, vector<16xf32>,
      %swap3A_137 = vector.shape_cast %swap3A_136 : vector<16xf32> to vector<16xf32>
      %swap3A_138 = vector.shape_cast %add3A_127 : vector<16xf32> to vector<16xf32>
      tpu.vector_store %swap3A_134[%swap3A_135], %swap3A_138 {strides = array<i32>} : memref<16xf32, #tpu.memory_space<vmem>>, vector<16xf32>,
      %slice3A_139 = vector.extract_strided_slice %get3A_96 {offsets = [3], sizes = [1], strides = [1]} : vector<16xf32> to vector<1xf32>
      %squeeze3A_140 = vector.extract %slice3A_139[0] : f32 from vector<1xf32>
      %add3A_141 = vector.broadcast %squeeze3A_140 : f32 to vector<16xf32>
      %add3A_142 = arith.addf %broadcast_in_dim3A_27, %add3A_141 : vector<16xf32>
      %mul3A_143 = arith.constant 16 : i32
      %mul3A_144 = arith.muli %add3A_88, %mul3A_143 : i32
      %add3A_145 = arith.constant 3 : i32
      %add3A_146 = arith.addi %mul3A_144, %add3A_145 : i32
      %swap3A_147 = arith.constant 0 : i32
      %swap3A_148 = tpu.memref_slice %arg8[%add3A_146, %swap3A_147] : memref<80x16xf32, #tpu.memory_space<vmem>> -> memref<1x16xf32, #tpu.memory_space<vmem>>
      %swap3A_149 = tpu.memref_squeeze %swap3A_148 : memref<1x16xf32, #tpu.memory_space<vmem>> -> memref<16xf32, #tpu.memory_space<vmem>>
      %swap3A_150 = arith.constant 0 : index
      %swap3A_151 = tpu.vector_load %swap3A_149[%swap3A_150] {strides = array<i32>} : memref<16xf32, #tpu.memory_space<vmem>>, vector<16xf32>,
      %swap3A_152 = vector.shape_cast %swap3A_151 : vector<16xf32> to vector<16xf32>
      %swap3A_153 = vector.shape_cast %add3A_142 : vector<16xf32> to vector<16xf32>
      tpu.vector_store %swap3A_149[%swap3A_150], %swap3A_153 {strides = array<i32>} : memref<16xf32, #tpu.memory_space<vmem>>, vector<16xf32>,
      %slice3A_154 = vector.extract_strided_slice %get3A_96 {offsets = [4], sizes = [1], strides = [1]} : vector<16xf32> to vector<1xf32>
      %squeeze3A_155 = vector.extract %slice3A_154[0] : f32 from vector<1xf32>
      %add3A_156 = vector.broadcast %squeeze3A_155 : f32 to vector<16xf32>
      %add3A_157 = arith.addf %broadcast_in_dim3A_27, %add3A_156 : vector<16xf32>
      %mul3A_158 = arith.constant 16 : i32
      %mul3A_159 = arith.muli %add3A_88, %mul3A_158 : i32
      %add3A_160 = arith.constant 4 : i32
      %add3A_161 = arith.addi %mul3A_159, %add3A_160 : i32
      %swap3A_162 = arith.constant 0 : i32
      %swap3A_163 = tpu.memref_slice %arg8[%add3A_161, %swap3A_162] : memref<80x16xf32, #tpu.memory_space<vmem>> -> memref<1x16xf32, #tpu.memory_space<vmem>>
      %swap3A_164 = tpu.memref_squeeze %swap3A_163 : memref<1x16xf32, #tpu.memory_space<vmem>> -> memref<16xf32, #tpu.memory_space<vmem>>
      %swap3A_165 = arith.constant 0 : index
      %swap3A_166 = tpu.vector_load %swap3A_164[%swap3A_165] {strides = array<i32>} : memref<16xf32, #tpu.memory_space<vmem>>, vector<16xf32>,
      %swap3A_167 = vector.shape_cast %swap3A_166 : vector<16xf32> to vector<16xf32>
      %swap3A_168 = vector.shape_cast %add3A_157 : vector<16xf32> to vector<16xf32>
      tpu.vector_store %swap3A_164[%swap3A_165], %swap3A_168 {strides = array<i32>} : memref<16xf32, #tpu.memory_space<vmem>>, vector<16xf32>,
      %slice3A_169 = vector.extract_strided_slice %get3A_96 {offsets = [5], sizes = [1], strides = [1]} : vector<16xf32> to vector<1xf32>
      %squeeze3A_170 = vector.extract %slice3A_169[0] : f32 from vector<1xf32>
      %add3A_171 = vector.broadcast %squeeze3A_170 : f32 to vector<16xf32>
      %add3A_172 = arith.addf %broadcast_in_dim3A_27, %add3A_171 : vector<16xf32>
      %mul3A_173 = arith.constant 16 : i32
      %mul3A_174 = arith.muli %add3A_88, %mul3A_173 : i32
      %add3A_175 = arith.constant 5 : i32
      %add3A_176 = arith.addi %mul3A_174, %add3A_175 : i32
      %swap3A_177 = arith.constant 0 : i32
      %swap3A_178 = tpu.memref_slice %arg8[%add3A_176, %swap3A_177] : memref<80x16xf32, #tpu.memory_space<vmem>> -> memref<1x16xf32, #tpu.memory_space<vmem>>
      %swap3A_179 = tpu.memref_squeeze %swap3A_178 : memref<1x16xf32, #tpu.memory_space<vmem>> -> memref<16xf32, #tpu.memory_space<vmem>>
      %swap3A_180 = arith.constant 0 : index
      %swap3A_181 = tpu.vector_load %swap3A_179[%swap3A_180] {strides = array<i32>} : memref<16xf32, #tpu.memory_space<vmem>>, vector<16xf32>,
      %swap3A_182 = vector.shape_cast %swap3A_181 : vector<16xf32> to vector<16xf32>
      %swap3A_183 = vector.shape_cast %add3A_172 : vector<16xf32> to vector<16xf32>
      tpu.vector_store %swap3A_179[%swap3A_180], %swap3A_183 {strides = array<i32>} : memref<16xf32, #tpu.memory_space<vmem>>, vector<16xf32>,
      %slice3A_184 = vector.extract_strided_slice %get3A_96 {offsets = [6], sizes = [1], strides = [1]} : vector<16xf32> to vector<1xf32>
      %squeeze3A_185 = vector.extract %slice3A_184[0] : f32 from vector<1xf32>
      %add3A_186 = vector.broadcast %squeeze3A_185 : f32 to vector<16xf32>
      %add3A_187 = arith.addf %broadcast_in_dim3A_27, %add3A_186 : vector<16xf32>
      %mul3A_188 = arith.constant 16 : i32
      %mul3A_189 = arith.muli %add3A_88, %mul3A_188 : i32
      %add3A_190 = arith.constant 6 : i32
      %add3A_191 = arith.addi %mul3A_189, %add3A_190 : i32
      %swap3A_192 = arith.constant 0 : i32
      %swap3A_193 = tpu.memref_slice %arg8[%add3A_191, %swap3A_192] : memref<80x16xf32, #tpu.memory_space<vmem>> -> memref<1x16xf32, #tpu.memory_space<vmem>>
      %swap3A_194 = tpu.memref_squeeze %swap3A_193 : memref<1x16xf32, #tpu.memory_space<vmem>> -> memref<16xf32, #tpu.memory_space<vmem>>
      %swap3A_195 = arith.constant 0 : index
      %swap3A_196 = tpu.vector_load %swap3A_194[%swap3A_195] {strides = array<i32>} : memref<16xf32, #tpu.memory_space<vmem>>, vector<16xf32>,
      %swap3A_197 = vector.shape_cast %swap3A_196 : vector<16xf32> to vector<16xf32>
      %swap3A_198 = vector.shape_cast %add3A_187 : vector<16xf32> to vector<16xf32>
      tpu.vector_store %swap3A_194[%swap3A_195], %swap3A_198 {strides = array<i32>} : memref<16xf32, #tpu.memory_space<vmem>>, vector<16xf32>,
      %slice3A_199 = vector.extract_strided_slice %get3A_96 {offsets = [7], sizes = [1], strides = [1]} : vector<16xf32> to vector<1xf32>
      %squeeze3A_200 = vector.extract %slice3A_199[0] : f32 from vector<1xf32>
      %add3A_201 = vector.broadcast %squeeze3A_200 : f32 to vector<16xf32>
      %add3A_202 = arith.addf %broadcast_in_dim3A_27, %add3A_201 : vector<16xf32>
      %mul3A_203 = arith.constant 16 : i32
      %mul3A_204 = arith.muli %add3A_88, %mul3A_203 : i32
      %add3A_205 = arith.constant 7 : i32
      %add3A_206 = arith.addi %mul3A_204, %add3A_205 : i32
      %swap3A_207 = arith.constant 0 : i32
      %swap3A_208 = tpu.memref_slice %arg8[%add3A_206, %swap3A_207] : memref<80x16xf32, #tpu.memory_space<vmem>> -> memref<1x16xf32, #tpu.memory_space<vmem>>
      %swap3A_209 = tpu.memref_squeeze %swap3A_208 : memref<1x16xf32, #tpu.memory_space<vmem>> -> memref<16xf32, #tpu.memory_space<vmem>>
      %swap3A_210 = arith.constant 0 : index
      %swap3A_211 = tpu.vector_load %swap3A_209[%swap3A_210] {strides = array<i32>} : memref<16xf32, #tpu.memory_space<vmem>>, vector<16xf32>,
      %swap3A_212 = vector.shape_cast %swap3A_211 : vector<16xf32> to vector<16xf32>
      %swap3A_213 = vector.shape_cast %add3A_202 : vector<16xf32> to vector<16xf32>
      tpu.vector_store %swap3A_209[%swap3A_210], %swap3A_213 {strides = array<i32>} : memref<16xf32, #tpu.memory_space<vmem>>, vector<16xf32>,
      %slice3A_214 = vector.extract_strided_slice %get3A_96 {offsets = [8], sizes = [1], strides = [1]} : vector<16xf32> to vector<1xf32>
      %squeeze3A_215 = vector.extract %slice3A_214[0] : f32 from vector<1xf32>
      %add3A_216 = vector.broadcast %squeeze3A_215 : f32 to vector<16xf32>
      %add3A_217 = arith.addf %broadcast_in_dim3A_27, %add3A_216 : vector<16xf32>
      %mul3A_218 = arith.constant 16 : i32
      %mul3A_219 = arith.muli %add3A_88, %mul3A_218 : i32
      %add3A_220 = arith.constant 8 : i32
      %add3A_221 = arith.addi %mul3A_219, %add3A_220 : i32
      %swap3A_222 = arith.constant 0 : i32
      %swap3A_223 = tpu.memref_slice %arg8[%add3A_221, %swap3A_222] : memref<80x16xf32, #tpu.memory_space<vmem>> -> memref<1x16xf32, #tpu.memory_space<vmem>>
      %swap3A_224 = tpu.memref_squeeze %swap3A_223 : memref<1x16xf32, #tpu.memory_space<vmem>> -> memref<16xf32, #tpu.memory_space<vmem>>
      %swap3A_225 = arith.constant 0 : index
      %swap3A_226 = tpu.vector_load %swap3A_224[%swap3A_225] {strides = array<i32>} : memref<16xf32, #tpu.memory_space<vmem>>, vector<16xf32>,
      %swap3A_227 = vector.shape_cast %swap3A_226 : vector<16xf32> to vector<16xf32>
      %swap3A_228 = vector.shape_cast %add3A_217 : vector<16xf32> to vector<16xf32>
      tpu.vector_store %swap3A_224[%swap3A_225], %swap3A_228 {strides = array<i32>} : memref<16xf32, #tpu.memory_space<vmem>>, vector<16xf32>,
      %slice3A_229 = vector.extract_strided_slice %get3A_96 {offsets = [9], sizes = [1], strides = [1]} : vector<16xf32> to vector<1xf32>
      %squeeze3A_230 = vector.extract %slice3A_229[0] : f32 from vector<1xf32>
      %add3A_231 = vector.broadcast %squeeze3A_230 : f32 to vector<16xf32>
      %add3A_232 = arith.addf %broadcast_in_dim3A_27, %add3A_231 : vector<16xf32>
      %mul3A_233 = arith.constant 16 : i32
      %mul3A_234 = arith.muli %add3A_88, %mul3A_233 : i32
      %add3A_235 = arith.constant 9 : i32
      %add3A_236 = arith.addi %mul3A_234, %add3A_235 : i32
      %swap3A_237 = arith.constant 0 : i32
      %swap3A_238 = tpu.memref_slice %arg8[%add3A_236, %swap3A_237] : memref<80x16xf32, #tpu.memory_space<vmem>> -> memref<1x16xf32, #tpu.memory_space<vmem>>
      %swap3A_239 = tpu.memref_squeeze %swap3A_238 : memref<1x16xf32, #tpu.memory_space<vmem>> -> memref<16xf32, #tpu.memory_space<vmem>>
      %swap3A_240 = arith.constant 0 : index
      %swap3A_241 = tpu.vector_load %swap3A_239[%swap3A_240] {strides = array<i32>} : memref<16xf32, #tpu.memory_space<vmem>>, vector<16xf32>,
      %swap3A_242 = vector.shape_cast %swap3A_241 : vector<16xf32> to vector<16xf32>
      %swap3A_243 = vector.shape_cast %add3A_232 : vector<16xf32> to vector<16xf32>
      tpu.vector_store %swap3A_239[%swap3A_240], %swap3A_243 {strides = array<i32>} : memref<16xf32, #tpu.memory_space<vmem>>, vector<16xf32>,
      %slice3A_244 = vector.extract_strided_slice %get3A_96 {offsets = [10], sizes = [1], strides = [1]} : vector<16xf32> to vector<1xf32>
      %squeeze3A_245 = vector.extract %slice3A_244[0] : f32 from vector<1xf32>
      %add3A_246 = vector.broadcast %squeeze3A_245 : f32 to vector<16xf32>
      %add3A_247 = arith.addf %broadcast_in_dim3A_27, %add3A_246 : vector<16xf32>
      %mul3A_248 = arith.constant 16 : i32
      %mul3A_249 = arith.muli %add3A_88, %mul3A_248 : i32
      %add3A_250 = arith.constant 10 : i32
      %add3A_251 = arith.addi %mul3A_249, %add3A_250 : i32
      %swap3A_252 = arith.constant 0 : i32
      %swap3A_253 = tpu.memref_slice %arg8[%add3A_251, %swap3A_252] : memref<80x16xf32, #tpu.memory_space<vmem>> -> memref<1x16xf32, #tpu.memory_space<vmem>>
      %swap3A_254 = tpu.memref_squeeze %swap3A_253 : memref<1x16xf32, #tpu.memory_space<vmem>> -> memref<16xf32, #tpu.memory_space<vmem>>
      %swap3A_255 = arith.constant 0 : index
      %swap3A_256 = tpu.vector_load %swap3A_254[%swap3A_255] {strides = array<i32>} : memref<16xf32, #tpu.memory_space<vmem>>, vector<16xf32>,
      %swap3A_257 = vector.shape_cast %swap3A_256 : vector<16xf32> to vector<16xf32>
      %swap3A_258 = vector.shape_cast %add3A_247 : vector<16xf32> to vector<16xf32>
      tpu.vector_store %swap3A_254[%swap3A_255], %swap3A_258 {strides = array<i32>} : memref<16xf32, #tpu.memory_space<vmem>>, vector<16xf32>,
      %slice3A_259 = vector.extract_strided_slice %get3A_96 {offsets = [11], sizes = [1], strides = [1]} : vector<16xf32> to vector<1xf32>
      %squeeze3A_260 = vector.extract %slice3A_259[0] : f32 from vector<1xf32>
      %add3A_261 = vector.broadcast %squeeze3A_260 : f32 to vector<16xf32>
      %add3A_262 = arith.addf %broadcast_in_dim3A_27, %add3A_261 : vector<16xf32>
      %mul3A_263 = arith.constant 16 : i32
      %mul3A_264 = arith.muli %add3A_88, %mul3A_263 : i32
      %add3A_265 = arith.constant 11 : i32
      %add3A_266 = arith.addi %mul3A_264, %add3A_265 : i32
      %swap3A_267 = arith.constant 0 : i32
      %swap3A_268 = tpu.memref_slice %arg8[%add3A_266, %swap3A_267] : memref<80x16xf32, #tpu.memory_space<vmem>> -> memref<1x16xf32, #tpu.memory_space<vmem>>
      %swap3A_269 = tpu.memref_squeeze %swap3A_268 : memref<1x16xf32, #tpu.memory_space<vmem>> -> memref<16xf32, #tpu.memory_space<vmem>>
      %swap3A_270 = arith.constant 0 : index
      %swap3A_271 = tpu.vector_load %swap3A_269[%swap3A_270] {strides = array<i32>} : memref<16xf32, #tpu.memory_space<vmem>>, vector<16xf32>,
      %swap3A_272 = vector.shape_cast %swap3A_271 : vector<16xf32> to vector<16xf32>
      %swap3A_273 = vector.shape_cast %add3A_262 : vector<16xf32> to vector<16xf32>
      tpu.vector_store %swap3A_269[%swap3A_270], %swap3A_273 {strides = array<i32>} : memref<16xf32, #tpu.memory_space<vmem>>, vector<16xf32>,
      %slice3A_274 = vector.extract_strided_slice %get3A_96 {offsets = [12], sizes = [1], strides = [1]} : vector<16xf32> to vector<1xf32>
      %squeeze3A_275 = vector.extract %slice3A_274[0] : f32 from vector<1xf32>
      %add3A_276 = vector.broadcast %squeeze3A_275 : f32 to vector<16xf32>
      %add3A_277 = arith.addf %broadcast_in_dim3A_27, %add3A_276 : vector<16xf32>
      %mul3A_278 = arith.constant 16 : i32
      %mul3A_279 = arith.muli %add3A_88, %mul3A_278 : i32
      %add3A_280 = arith.constant 12 : i32
      %add3A_281 = arith.addi %mul3A_279, %add3A_280 : i32
      %swap3A_282 = arith.constant 0 : i32
      %swap3A_283 = tpu.memref_slice %arg8[%add3A_281, %swap3A_282] : memref<80x16xf32, #tpu.memory_space<vmem>> -> memref<1x16xf32, #tpu.memory_space<vmem>>
      %swap3A_284 = tpu.memref_squeeze %swap3A_283 : memref<1x16xf32, #tpu.memory_space<vmem>> -> memref<16xf32, #tpu.memory_space<vmem>>
      %swap3A_285 = arith.constant 0 : index
      %swap3A_286 = tpu.vector_load %swap3A_284[%swap3A_285] {strides = array<i32>} : memref<16xf32, #tpu.memory_space<vmem>>, vector<16xf32>,
      %swap3A_287 = vector.shape_cast %swap3A_286 : vector<16xf32> to vector<16xf32>
      %swap3A_288 = vector.shape_cast %add3A_277 : vector<16xf32> to vector<16xf32>
      tpu.vector_store %swap3A_284[%swap3A_285], %swap3A_288 {strides = array<i32>} : memref<16xf32, #tpu.memory_space<vmem>>, vector<16xf32>,
      %slice3A_289 = vector.extract_strided_slice %get3A_96 {offsets = [13], sizes = [1], strides = [1]} : vector<16xf32> to vector<1xf32>
      %squeeze3A_290 = vector.extract %slice3A_289[0] : f32 from vector<1xf32>
      %add3A_291 = vector.broadcast %squeeze3A_290 : f32 to vector<16xf32>
      %add3A_292 = arith.addf %broadcast_in_dim3A_27, %add3A_291 : vector<16xf32>
      %mul3A_293 = arith.constant 16 : i32
      %mul3A_294 = arith.muli %add3A_88, %mul3A_293 : i32
      %add3A_295 = arith.constant 13 : i32
      %add3A_296 = arith.addi %mul3A_294, %add3A_295 : i32
      %swap3A_297 = arith.constant 0 : i32
      %swap3A_298 = tpu.memref_slice %arg8[%add3A_296, %swap3A_297] : memref<80x16xf32, #tpu.memory_space<vmem>> -> memref<1x16xf32, #tpu.memory_space<vmem>>
      %swap3A_299 = tpu.memref_squeeze %swap3A_298 : memref<1x16xf32, #tpu.memory_space<vmem>> -> memref<16xf32, #tpu.memory_space<vmem>>
      %swap3A_300 = arith.constant 0 : index
      %swap3A_301 = tpu.vector_load %swap3A_299[%swap3A_300] {strides = array<i32>} : memref<16xf32, #tpu.memory_space<vmem>>, vector<16xf32>,
      %swap3A_302 = vector.shape_cast %swap3A_301 : vector<16xf32> to vector<16xf32>
      %swap3A_303 = vector.shape_cast %add3A_292 : vector<16xf32> to vector<16xf32>
      tpu.vector_store %swap3A_299[%swap3A_300], %swap3A_303 {strides = array<i32>} : memref<16xf32, #tpu.memory_space<vmem>>, vector<16xf32>,
      %slice3A_304 = vector.extract_strided_slice %get3A_96 {offsets = [14], sizes = [1], strides = [1]} : vector<16xf32> to vector<1xf32>
      %squeeze3A_305 = vector.extract %slice3A_304[0] : f32 from vector<1xf32>
      %add3A_306 = vector.broadcast %squeeze3A_305 : f32 to vector<16xf32>
      %add3A_307 = arith.addf %broadcast_in_dim3A_27, %add3A_306 : vector<16xf32>
      %mul3A_308 = arith.constant 16 : i32
      %mul3A_309 = arith.muli %add3A_88, %mul3A_308 : i32
      %add3A_310 = arith.constant 14 : i32
      %add3A_311 = arith.addi %mul3A_309, %add3A_310 : i32
      %swap3A_312 = arith.constant 0 : i32
      %swap3A_313 = tpu.memref_slice %arg8[%add3A_311, %swap3A_312] : memref<80x16xf32, #tpu.memory_space<vmem>> -> memref<1x16xf32, #tpu.memory_space<vmem>>
      %swap3A_314 = tpu.memref_squeeze %swap3A_313 : memref<1x16xf32, #tpu.memory_space<vmem>> -> memref<16xf32, #tpu.memory_space<vmem>>
      %swap3A_315 = arith.constant 0 : index
      %swap3A_316 = tpu.vector_load %swap3A_314[%swap3A_315] {strides = array<i32>} : memref<16xf32, #tpu.memory_space<vmem>>, vector<16xf32>,
      %swap3A_317 = vector.shape_cast %swap3A_316 : vector<16xf32> to vector<16xf32>
      %swap3A_318 = vector.shape_cast %add3A_307 : vector<16xf32> to vector<16xf32>
      tpu.vector_store %swap3A_314[%swap3A_315], %swap3A_318 {strides = array<i32>} : memref<16xf32, #tpu.memory_space<vmem>>, vector<16xf32>,
      %slice3A_319 = vector.extract_strided_slice %get3A_96 {offsets = [15], sizes = [1], strides = [1]} : vector<16xf32> to vector<1xf32>
      %squeeze3A_320 = vector.extract %slice3A_319[0] : f32 from vector<1xf32>
      %add3A_321 = vector.broadcast %squeeze3A_320 : f32 to vector<16xf32>
      %add3A_322 = arith.addf %broadcast_in_dim3A_27, %add3A_321 : vector<16xf32>
      %mul3A_323 = arith.constant 16 : i32
      %mul3A_324 = arith.muli %add3A_88, %mul3A_323 : i32
      %add3A_325 = arith.constant 15 : i32
      %add3A_326 = arith.addi %mul3A_324, %add3A_325 : i32
      %swap3A_327 = arith.constant 0 : i32
      %swap3A_328 = tpu.memref_slice %arg8[%add3A_326, %swap3A_327] : memref<80x16xf32, #tpu.memory_space<vmem>> -> memref<1x16xf32, #tpu.memory_space<vmem>>
      %swap3A_329 = tpu.memref_squeeze %swap3A_328 : memref<1x16xf32, #tpu.memory_space<vmem>> -> memref<16xf32, #tpu.memory_space<vmem>>
      %swap3A_330 = arith.constant 0 : index
      %swap3A_331 = tpu.vector_load %swap3A_329[%swap3A_330] {strides = array<i32>} : memref<16xf32, #tpu.memory_space<vmem>>, vector<16xf32>,
      %swap3A_332 = vector.shape_cast %swap3A_331 : vector<16xf32> to vector<16xf32>
      %swap3A_333 = vector.shape_cast %add3A_322 : vector<16xf32> to vector<16xf32>
      tpu.vector_store %swap3A_329[%swap3A_330], %swap3A_333 {strides = array<i32>} : memref<16xf32, #tpu.memory_space<vmem>>, vector<16xf32>,
    }
    %scan3A_43 = arith.constant 5 : i32
    %dma_start3A = arith.constant 124 : i32
    %dma_start3A_44 = arith.constant 0 : i32
    %dma_start3A_45 = tpu.memref_slice %arg6[%dma_start3A, %dma_start3A_44] : memref<125x80xi32, #tpu.memory_space<vmem>> -> memref<1x80xi32, #tpu.memory_space<vmem>>
    %dma_start3A_46 = tpu.memref_squeeze %dma_start3A_45 : memref<1x80xi32, #tpu.memory_space<vmem>> -> memref<80xi32, #tpu.memory_space<vmem>>
    %dma_start3A_47 = arith.constant 0 : i32
    %dma_start3A_48 = arith.constant 0 : i32
    %dma_start3A_49 = tpu.memref_slice %arg5[%dma_start3A_47, %dma_start3A_48] : memref<10000x16xf32, #tpu.memory_space<vmem_shared>> -> memref<10000x16xf32, #tpu.memory_space<vmem_shared>>
    tpu.enqueue_indirect_dma source(%arg8 : memref<80x16xf32, #tpu.memory_space<vmem>>) target(%dma_start3A_49 : memref<10000x16xf32, #tpu.memory_space<vmem_shared>>) offsets(%dma_start3A_46 : memref<80xi32, #tpu.memory_space<vmem>>) semaphore(%arg11 : memref<!tpu.dma_semaphore, #tpu.memory_space<semaphore_mem>>) {add = true}
    %dma_wait3A_50 = arith.constant 123 : i32
    %dma_wait3A_51 = arith.constant 0 : i32
    %dma_wait3A_52 = tpu.memref_slice %arg6[%dma_wait3A_50, %dma_wait3A_51] : memref<125x80xi32, #tpu.memory_space<vmem>> -> memref<1x80xi32, #tpu.memory_space<vmem>>
    %dma_wait3A_53 = tpu.memref_squeeze %dma_wait3A_52 : memref<1x80xi32, #tpu.memory_space<vmem>> -> memref<80xi32, #tpu.memory_space<vmem>>
    %dma_wait3A_54 = arith.constant 0 : i32
    %dma_wait3A_55 = arith.constant 0 : i32
    %dma_wait3A_56 = tpu.memref_slice %arg5[%dma_wait3A_54, %dma_wait3A_55] : memref<10000x16xf32, #tpu.memory_space<vmem_shared>> -> memref<10000x16xf32, #tpu.memory_space<vmem_shared>>
    tpu.wait_indirect_dma semaphore(%arg12 : memref<!tpu.dma_semaphore, #tpu.memory_space<semaphore_mem>>) src(%arg9 : memref<80x16xf32, #tpu.memory_space<vmem>>) dst(%dma_wait3A_56 : memref<10000x16xf32, #tpu.memory_space<vmem_shared>>)
    %dma_wait3A_57 = arith.constant 124 : i32
    %dma_wait3A_58 = arith.constant 0 : i32
    %dma_wait3A_59 = tpu.memref_slice %arg6[%dma_wait3A_57, %dma_wait3A_58] : memref<125x80xi32, #tpu.memory_space<vmem>> -> memref<1x80xi32, #tpu.memory_space<vmem>>
    %dma_wait3A_60 = tpu.memref_squeeze %dma_wait3A_59 : memref<1x80xi32, #tpu.memory_space<vmem>> -> memref<80xi32, #tpu.memory_space<vmem>>
    %dma_wait3A_61 = arith.constant 0 : i32
    %dma_wait3A_62 = arith.constant 0 : i32
    %dma_wait3A_63 = tpu.memref_slice %arg5[%dma_wait3A_61, %dma_wait3A_62] : memref<10000x16xf32, #tpu.memory_space<vmem_shared>> -> memref<10000x16xf32, #tpu.memory_space<vmem_shared>>
    tpu.wait_indirect_dma semaphore(%arg11 : memref<!tpu.dma_semaphore, #tpu.memory_space<semaphore_mem>>) src(%arg8 : memref<80x16xf32, #tpu.memory_space<vmem>>) dst(%dma_wait3A_63 : memref<10000x16xf32, #tpu.memory_space<vmem_shared>>)
    %barrier3A_64 = arith.constant 0 : index
    tpu.barrier barrier_id(%barrier3A_64)
    %sub3A_65 = arith.constant 0 : i32
    %sub3A_66 = arith.subi %select_n3A, %sub3A_65 : i32
    %sub3A_67 = arith.constant 1 : i32
    %sub3A_68 = arith.constant 1 : i32
    %sub3A_69 = arith.subi %sub3A_67, %sub3A_68 : i32
    %add3A_70 = arith.addi %sub3A_66, %sub3A_69 : i32
    %div3A_71 = arith.constant 1 : i32
    %div3A_72 = arith.divsi %add3A_70, %div3A_71 : i32
    %while3A_73 = arith.constant 1 : i32
    %while3A_74 = arith.constant 0 : i32
    %while3A_75 = arith.constant 0 : i32
    %while3A_76 = arith.subi %div3A_72, %while3A_75 : i32
    %while3A_77 = arith.addi %while3A_75, %while3A_76 : i32
    %while3A_78 = arith.constant 1 : i32
    %while3A_79 = arith.divsi %while3A_76, %while3A_78 : i32
    %while3A_80 = arith.muli %while3A_79, %while3A_78 : i32
    %while3A_81 = arith.addi %while3A_75, %while3A_80 : i32
    %while3A_82 = arith.constant 1 : i32
    scf.for %while3A_84 = %while3A_75 to %while3A_81 step %while3A_82  : i32 {
      %mul3A_85 = arith.muli %while3A_84, %while3A_73 : i32
      %add3A_86 = arith.addi %while3A_74, %mul3A_85 : i32
      %mul3A_87 = arith.constant 80 : i32
      %mul3A_88 = arith.muli %add3A_86, %mul3A_87 : i32
      %add3A_89 = arith.addi %mul3A_2, %mul3A_88 : i32
      %multiple_of3A = tpu.assume_multiple %add3A_89, 8 : i32
      "tpu.region"() ({
        %run_scoped3A = tpu.sem_alloc : memref<!tpu.dma_semaphore, #tpu.memory_space<semaphore_mem>>
        %dma_start3A_90 = arith.constant 0 : i32
        %dma_start3A_91 = arith.constant 0 : i32
        %dma_start3A_92 = tpu.memref_slice %arg4[%arg0, %dma_start3A_90, %dma_start3A_91] : memref<2x10000x16xf32, #tpu.memory_space<hbm>> -> memref<1x10000x16xf32, #tpu.memory_space<hbm>>
        %dma_start3A_93 = tpu.memref_squeeze %dma_start3A_92 : memref<1x10000x16xf32, #tpu.memory_space<hbm>> -> memref<10000x16xf32, #tpu.memory_space<hbm>>
        %dma_start3A_94 = arith.constant 0 : i32
        %dma_start3A_95 = tpu.memref_slice %dma_start3A_93[%multiple_of3A, %dma_start3A_94] : memref<10000x16xf32, #tpu.memory_space<hbm>> -> memref<80x16xf32, #tpu.memory_space<hbm>>
        %dma_start3A_96 = arith.constant 0 : i32
        %dma_start3A_97 = tpu.memref_slice %arg5[%multiple_of3A, %dma_start3A_96] : memref<10000x16xf32, #tpu.memory_space<vmem_shared>> -> memref<80x16xf32, #tpu.memory_space<vmem_shared>>
        tpu.enqueue_dma source(%dma_start3A_97 : memref<80x16xf32, #tpu.memory_space<vmem_shared>>) target(%dma_start3A_95 : memref<80x16xf32, #tpu.memory_space<hbm>>) target_semaphore(%run_scoped3A : memref<!tpu.dma_semaphore, #tpu.memory_space<semaphore_mem>>)
        %dma_wait3A_98 = arith.constant 0 : i32
        %dma_wait3A_99 = arith.constant 0 : i32
        %dma_wait3A_100 = tpu.memref_slice %arg4[%arg0, %dma_wait3A_98, %dma_wait3A_99] : memref<2x10000x16xf32, #tpu.memory_space<hbm>> -> memref<1x10000x16xf32, #tpu.memory_space<hbm>>
        %dma_wait3A_101 = tpu.memref_squeeze %dma_wait3A_100 : memref<1x10000x16xf32, #tpu.memory_space<hbm>> -> memref<10000x16xf32, #tpu.memory_space<hbm>>
        %dma_wait3A_102 = arith.constant 0 : i32
        %dma_wait3A_103 = tpu.memref_slice %dma_wait3A_101[%multiple_of3A, %dma_wait3A_102] : memref<10000x16xf32, #tpu.memory_space<hbm>> -> memref<80x16xf32, #tpu.memory_space<hbm>>
        %dma_wait3A_104 = arith.constant 0 : i32
        %dma_wait3A_105 = tpu.memref_slice %arg5[%multiple_of3A, %dma_wait3A_104] : memref<10000x16xf32, #tpu.memory_space<vmem_shared>> -> memref<80x16xf32, #tpu.memory_space<vmem_shared>>
        tpu.wait_dma2 semaphore(%run_scoped3A : memref<!tpu.dma_semaphore, #tpu.memory_space<semaphore_mem>>) src(%dma_wait3A_105 : memref<80x16xf32, #tpu.memory_space<vmem_shared>>) dst(%dma_wait3A_103 : memref<80x16xf32, #tpu.memory_space<hbm>>)
        tpu.yield
      }) : () -> ()
    }
    %while3A_83 = arith.constant 1 : i32
    scf.for %while3A_84 = %while3A_81 to %while3A_77 step %while3A_83  : i32 {
      %mul3A_85 = arith.muli %while3A_84, %while3A_73 : i32
      %add3A_86 = arith.addi %while3A_74, %mul3A_85 : i32
      %mul3A_87 = arith.constant 80 : i32
      %mul3A_88 = arith.muli %add3A_86, %mul3A_87 : i32
      %add3A_89 = arith.addi %mul3A_2, %mul3A_88 : i32
      %multiple_of3A = tpu.assume_multiple %add3A_89, 8 : i32
      "tpu.region"() ({
        %run_scoped3A = tpu.sem_alloc : memref<!tpu.dma_semaphore, #tpu.memory_space<semaphore_mem>>
        %dma_start3A_90 = arith.constant 0 : i32
        %dma_start3A_91 = arith.constant 0 : i32
        %dma_start3A_92 = tpu.memref_slice %arg4[%arg0, %dma_start3A_90, %dma_start3A_91] : memref<2x10000x16xf32, #tpu.memory_space<hbm>> -> memref<1x10000x16xf32, #tpu.memory_space<hbm>>
        %dma_start3A_93 = tpu.memref_squeeze %dma_start3A_92 : memref<1x10000x16xf32, #tpu.memory_space<hbm>> -> memref<10000x16xf32, #tpu.memory_space<hbm>>
        %dma_start3A_94 = arith.constant 0 : i32
        %dma_start3A_95 = tpu.memref_slice %dma_start3A_93[%multiple_of3A, %dma_start3A_94] : memref<10000x16xf32, #tpu.memory_space<hbm>> -> memref<80x16xf32, #tpu.memory_space<hbm>>
        %dma_start3A_96 = arith.constant 0 : i32
        %dma_start3A_97 = tpu.memref_slice %arg5[%multiple_of3A, %dma_start3A_96] : memref<10000x16xf32, #tpu.memory_space<vmem_shared>> -> memref<80x16xf32, #tpu.memory_space<vmem_shared>>
        tpu.enqueue_dma source(%dma_start3A_97 : memref<80x16xf32, #tpu.memory_space<vmem_shared>>) target(%dma_start3A_95 : memref<80x16xf32, #tpu.memory_space<hbm>>) target_semaphore(%run_scoped3A : memref<!tpu.dma_semaphore, #tpu.memory_space<semaphore_mem>>)
        %dma_wait3A_98 = arith.constant 0 : i32
        %dma_wait3A_99 = arith.constant 0 : i32
        %dma_wait3A_100 = tpu.memref_slice %arg4[%arg0, %dma_wait3A_98, %dma_wait3A_99] : memref<2x10000x16xf32, #tpu.memory_space<hbm>> -> memref<1x10000x16xf32, #tpu.memory_space<hbm>>
        %dma_wait3A_101 = tpu.memref_squeeze %dma_wait3A_100 : memref<1x10000x16xf32, #tpu.memory_space<hbm>> -> memref<10000x16xf32, #tpu.memory_space<hbm>>
        %dma_wait3A_102 = arith.constant 0 : i32
        %dma_wait3A_103 = tpu.memref_slice %dma_wait3A_101[%multiple_of3A, %dma_wait3A_102] : memref<10000x16xf32, #tpu.memory_space<hbm>> -> memref<80x16xf32, #tpu.memory_space<hbm>>
        %dma_wait3A_104 = arith.constant 0 : i32
        %dma_wait3A_105 = tpu.memref_slice %arg5[%multiple_of3A, %dma_wait3A_104] : memref<10000x16xf32, #tpu.memory_space<vmem_shared>> -> memref<80x16xf32, #tpu.memory_space<vmem_shared>>
        tpu.wait_dma2 semaphore(%run_scoped3A : memref<!tpu.dma_semaphore, #tpu.memory_space<semaphore_mem>>) src(%dma_wait3A_105 : memref<80x16xf32, #tpu.memory_space<vmem_shared>>) dst(%dma_wait3A_103 : memref<80x16xf32, #tpu.memory_space<hbm>>)
        tpu.yield
      }) : () -> ()
    }
    return
  }
}

</mosaic_0001>

<sc_bundles>
// kernel: _deg_partials.3.cloned.1.call-start
scs
__scs_entry_jumppad:
0x0: {  	(pc) =	sbr.rel $0x88, $3  }
0x1: {  	(tag) =	ssettag $0x0;
	lr =	simm.s32 $0x1  }
0x2: {  	[smem:$0x3F9F] =	sst lr;
	_ =	strace $0xD0000000  }
0x3: {  	_ = 	snop  }
0x4: {  	_ = 	snop  }
0x5: {  	_ = 	snop  }
0x6: {  	_ = 	snop  }
0x7: {  	_ = 	snop  }
__scs_overlays_trampoline_lowered:
0x8: {  	[smem:$0x3FAE] =	sst s0  }
0x9: {  	[smem:$0x3FAF] =	sst s1  }
0xa: {  	[smem:$0x3FB0] =	sst s2  }
0xb: {  	[smem:$0x3FB1] =	sst s3  }
0xc: {  	[smem:$0x3FB2] =	sst s4  }
0xd: {  	[smem:$0x3FB3] =	sst s5  }
0xe: {  	[smem:$0x3FB4] =	sst s6  }
0xf: {  	[smem:$0x3FB5] =	sst s7  }
0x10: {  	[smem:$0x3FB6] =	sst s8  }
0x11: {  	[smem:$0x3FB7] =	sst s9;
	s0 =	simm.s32 @!p0 $0x0  }
0x12: {  	s1 =	sld [smem:$0x3F9D];
	s0 =	simm.s32 @p0 $0x1  }
0x13: {  	[smem:$0x3FB8] =	sst s0;
	s0 =	simm.s32 @!p1 $0x0  }
0x14: {  	s2 =	sld [smem:$0x3F9C];
	s0 =	simm.s32 @p1 $0x1  }
0x15: {  	[smem:$0x3FB9] =	sst s0;
	s0 =	simm.s32 @!p2 $0x0  }
0x16: {  	s3 =	sld [smem:$0x3FDB];
	s0 =	simm.s32 @p2 $0x1  }
0x17: {  	s4 =	simm.s32 $0x1BF5;
	[smem:$0x3FBB] =	sst s0  }
0x18: {  	s0 =	sld [smem:$0x3F9E];
	_ =	swait.ge [sflag:s4], $0x0  }
0x19: {  	s7 =	sld [smem:$0x3F9F]  }
0x1a: {  	s8 =	sadd.s32 $0xFFFFE003, lr  }
0x1b: {  	s9 =	sadd.s32 $0xFFFFFEF7, lr;
	s5 =	simm.s32 $0xFFFFFFFF;
	p2 =	slt.u32 s8, $0xFFFFF086  }
0x1c: {  	p1 =	slt.u32 s9, $0xF7A;
	s5 =	simm.s32 @!p2 $0x0  }
0x1d: {  	s5 =	simm.s32 @p1 $0x1;
	p0 =	seq.s32 s7, s2  }
0x1e: {  	s7 =	smul.u32 @!p0 $0xF7A, s2;
	p2 =	seq.s32 @!p0 s5, $0x0  }
0x1f: {  	s9 =	smul.u32 $0xF7A, s1;
	s8 =	simm.s32 @!p0 $0x1BF5;
	p2 =	por !p2, p0  }
0x20: {  	[sflag:s8] =	ssyncset.s32 @!p0 $0xFFFFF086;
	s6 =	sadd.s32 @!p0 s3, s7;
	s7 =	simm.s32 @!p0 $0x108  }
0x21: {  	s3 =	sadd.s32 s3, s9;
	s6 =	sadd.s32 @!p0 $0x88, s6;
	s7 =	simm.s32 @p2 $0x1082  }
0x22: {  	[simem:s7], [sflag:s8] =	dma.local @!p0 [hbm:s6], $0xF7A  }
0x23: {  	s9 =	sor.u32 $0xD0000000, s2;
	s6 =	simm.s32 $0x108;
	_ =	swait.ge @!p0 [sflag:s8], $0x0  }
0x24: {  	s3 =	sadd.s32 $0x88, s3;
	s6 =	simm.s32 @!p1 $0x1082;
	[sflag:s4] =	ssyncset.s32 $0xFFFFF086  }
0x25: {  	[simem:s6], [sflag:s4] =	dma.local [hbm:s3], $0xF7A  }
0x26: {  	[smem:$0x3F9F] =	sst s1;
	(tag) =	ssettag s2;
	_ =	strace s9  }
0x27: {  	s1 =	sld [smem:$0x3FAF]  }
0x28: {  	s2 =	sld [smem:$0x3FB0]  }
0x29: {  	s4 =	sld [smem:$0x3FB2]  }
0x2a: {  	p0 =	seq.s32 s5, $0x0;
	s5 =	sld [smem:$0x3FB3]  }
0x2b: {  	s6 =	sld [smem:$0x3FB4]  }
0x2c: {  	s7 =	sld [smem:$0x3FB5]  }
0x2d: {  	s3 =	simm.s32 $0x108;
	s8 =	sld [smem:$0x3FB6]  }
0x2e: {  	s3 =	simm.s32 @!p0 $0x1082;
	s9 =	sld [smem:$0x3FB7]  }
0x2f: {  	lr =	sadd.s32 s0, s3;
	s0 =	sld [smem:$0x3FAE]  }
0x30: {  	s3 =	sld [smem:$0x3FB1]  }
0x31: {  	[smem:$0x3FBA] =	sst s10  }
0x32: {  	s10 =	sld [smem:$0x3FB8];
	_ =	sdelay $0x3  }
0x33: {  	p0 =	seq.s32 s10, $0x1;
	s10 =	sld [smem:$0x3FBA];
	_ =	sdelay $0x3  }
0x34: {  	[smem:$0x3FBA] =	sst s10  }
0x35: {  	s10 =	sld [smem:$0x3FB9];
	_ =	sdelay $0x3  }
0x36: {  	p1 =	seq.s32 s10, $0x1;
	s10 =	sld [smem:$0x3FBA];
	_ =	sdelay $0x3  }
0x37: {  	[smem:$0x3FBA] =	sst s10  }
0x38: {  	s10 =	sld [smem:$0x3FBB]  }
0x39: {  	_ = 	snop;
	(pc) =	sbr.ind lr, $3  }
0x3a: {  	_ = 	snop  }
0x3b: {  	_ = 	snop  }
0x3c: {  	p2 =	seq.s32 s10, $0x1;
	s10 =	sld [smem:$0x3FBA]  }
0x3d: {  	_ =	shalt  }
0x3e: {  	_ =	shalt  }
0x3f: {  	_ =	shalt  }
0x40: {  	_ =	shalt  }
0x41: {  	_ =	shalt  }
0x42: {  	_ =	shalt  }
0x43: {  	_ =	shalt  }
0x44: {  	_ =	shalt  }
0x45: {  	_ =	shalt  }
0x46: {  	_ =	shalt  }
0x47: {  	_ =	shalt  }
0x48: {  	_ =	shalt  }
0x49: {  	_ =	shalt  }
0x4a: {  	_ =	shalt  }
0x4b: {  	_ =	shalt  }
0x4c: {  	_ =	shalt  }
0x4d: {  	_ =	shalt  }
0x4e: {  	_ =	shalt  }
0x4f: {  	_ =	shalt  }
0x50: {  	_ =	shalt  }
0x51: {  	_ =	shalt  }
0x52: {  	_ =	shalt  }
0x53: {  	_ =	shalt  }
0x54: {  	_ =	shalt  }
0x55: {  	_ =	shalt  }
0x56: {  	_ =	shalt  }
0x57: {  	_ =	shalt  }
0x58: {  	_ =	shalt  }
0x59: {  	_ =	shalt  }
0x5a: {  	_ =	shalt  }
0x5b: {  	_ =	shalt  }
0x5c: {  	_ =	shalt  }
0x5d: {  	_ =	shalt  }
0x5e: {  	_ =	shalt  }
0x5f: {  	_ =	shalt  }
0x60: {  	_ =	shalt  }
0x61: {  	_ =	shalt  }
0x62: {  	_ =	shalt  }
0x63: {  	_ =	shalt  }
0x64: {  	_ =	shalt  }
0x65: {  	_ =	shalt  }
0x66: {  	_ =	shalt  }
0x67: {  	_ =	shalt  }
0x68: {  	_ =	shalt  }
0x69: {  	_ =	shalt  }
0x6a: {  	_ =	shalt  }
0x6b: {  	_ =	shalt  }
0x6c: {  	_ =	shalt  }
0x6d: {  	_ =	shalt  }
0x6e: {  	_ =	shalt  }
0x6f: {  	_ =	shalt  }
0x70: {  	_ =	shalt  }
0x71: {  	_ =	shalt  }
0x72: {  	_ =	shalt  }
0x73: {  	_ =	shalt  }
0x74: {  	_ =	shalt  }
0x75: {  	_ =	shalt  }
0x76: {  	_ =	shalt  }
0x77: {  	_ =	shalt  }
0x78: {  	_ =	shalt  }
0x79: {  	_ =	shalt  }
0x7a: {  	_ =	shalt  }
0x7b: {  	_ =	shalt  }
0x7c: {  	_ =	shalt  }
0x7d: {  	_ =	shalt  }
0x7e: {  	_ =	shalt  }
0x7f: {  	_ =	shalt  }
0x80: {  	_ =	shalt  }
0x81: {  	_ =	shalt  }
0x82: {  	_ =	shalt  }
0x83: {  	_ =	shalt  }
0x84: {  	_ =	shalt  }
0x85: {  	_ =	shalt  }
0x86: {  	_ =	shalt  }
0x87: {  	_ =	shalt  }
.Lfunc_end0:
.L_simem_size_0:
called_computation_lowered:
.L_overlay_start_0:
0x88: {  	s2 =	sld [smem:$0x3FD9]  }
0x89: {  	s3 =	sld [smem:$0x3FFE];
	_ =	sdelay $0x1  }
0x8a: {  	s1 =	srdreg.scid  }
0x8b: {  	s0 =	sand.u32 $0x1, s1  }
0x8c: {  	s16 =	sshll.u32 s0, $0xA;
	s2 =	sadd.s32 s3, s2  }
0x8d: {  	s2 =	sadd.s32 s2, s16  }
0x8e: {  	[smem:$0x3FC6] =	sst s2  }
0x8f: {  	_ = 	snop  }
0x90: {  	(tm) =	ssettm $0x1  }
0x91: {  	s17 =	sld [smem:$0x3FFB];
	_ =	sdelay $0x3  }
0x92: {  	_ =	strace s17  }
0x93: {  	s2 =	sld [smem:$0x3FFC];
	_ =	sdelay $0x3  }
0x94: {  	_ =	strace s2  }
0x95: {  	s2 =	sld [smem:$0x3FFD];
	_ =	sdelay $0x3  }
0x96: {  	_ =	strace s2  }
0x97: {  	_ =	strace $0x8FFFFFFF  }
0x98: {  	s18 =	sld [smem:$0x3FDB];
	_ =	sdelay $0x1  }
0x99: {  	s19 =	simm.s32 $_scs_section_size  }
0x9a: {  	s4 =	simm.s32 $_size__tile_overlayer_lowered;
	s5 =	simm.s32 $_tile_overlayer_lowered  }
0x9b: {  	s22 =	simm.s32 $0x1BFF;
	s21 =	sshll.u32 s5, $0x1;
	s2 =	sadd.s32 s19, s18  }
0x9c: {  	s6 =	simm.s32 $0x0;
	s20 =	sshll.u32 s4, $0x1;
	s4 =	sadd.s32 s21, s2  }
0x9d: {  	[timem:s6], [sflag:s22] =	dma.local [hbm:s4], s20  }
0x9e: {  	_ =	swait.ge [sflag:s22], s20  }
0x9f: {  	s3 =	ssub.s32 $0x0, s20;
	[sflag:s22] =	ssyncset.done $0x0  }
0xa0: {  	[sflag:s22] =	ssyncadd.s32 s3;
	_ =	sdelay $0x1  }
0xa1: {  	s23 =	simm.s32 $0x1B8B  }
0xa2: {  	_ =	swait.ge [sflag:s23], $0x1  }
0xa3: {  	[sflag:s23] =	ssyncset.done $0x0  }
0xa4: {  	s25 =	simm.s32 $0x1B8E;
	s24 =	sld [smem:$0x3FFE];
	[sflag:s23] =	ssyncadd.s32 $0xFFFFFFFF  }
0xa5: {  	s26 =	simm.s32 $execute0_lowered;
	[smem:$0x3FD2] =	sst s25  }
0xa6: {  	s4 =	sshll.u32 s26, $0x1;
	_ =	strace $0x80000046;
	[dreg:$0x1] =	wrdreg $0xFFFFFFFF  }
0xa7: {  	s28 =	simm.s32 $_size_execute0_lowered;
	s2 =	sadd.s32 s2, s4;
	[dreg:$0x0] =	wrdreg $0x0  }
0xa8: {  	s4 =	sshll.u32 s28, $0x1;
	[dreg:$0x2] =	wrdreg s2  }
0xa9: {  	[dreg:$0x3] =	wrdreg s4  }
0xaa: {  	[dreg:$0x4] =	wrdreg $0xC0  }
0xab: {  	_ =	task [dreg:s6], $0x5FFFF  }
0xac: {  	[dreg:$0x1] =	wrdreg $0xFFFFFFFF  }
0xad: {  	[dreg:$0x0] =	wrdreg $0x60  }
0xae: {  	[dreg:$0x2] =	wrdreg s24  }
0xaf: {  	[dreg:$0x3] =	wrdreg $0x0  }
0xb0: {  	[dreg:$0x4] =	wrdreg $0x9  }
0xb1: {  	_ =	task.clear_ibuf [dreg:s6], $0x5FFFF;
	_ =	strace $0x90000046  }
0xb2: {  	s29 =	simm.s32 $0x9;
	_ =	strace $0x80000048  }
0xb3: {  	_ =	swait.ge [sflag:s29], $0x1  }
0xb4: {  	[sflag:s29] =	ssyncadd.s32 $0xFFFFFFFF  }
0xb5: {  	_ =	strace $0x90000048  }
0xb6: {  	_ =	sfence  }
0xb7: {  	s30 =	sld [smem:$0x0];
	_ =	sdelay $0x2  }
0xb8: {  	s31 =	sshll.u32 s1, $0xD;
	s1 =	sshrl.u32 s1, $0x2  }
0xb9: {  	s3 =	sand.u32 $0x4000, s31;
	s1 =	sadd.s32 s1, s30  }
0xba: {  	s0 =	sor.u32 s3, s0;
	s1 =	sshll.u32 s1, $0x11  }
0xbb: {  	s0 =	sor.u32 s1, s0  }
0xbc: {  	s0 =	sadd.s32 $0x8F2B, s0  }
0xbd: {  	[sflag:s0] =	ssyncadd.remote.s32 $0x1  }
0xbe: {  	_ =	sfence.sel $0xFFFF  }
0xbf: {  	[dreg:$0x0] =	wrdreg $0xFFFFFFFF;
	(pc) =	sbr.abs _section_cstart, $3  }
0xc0: {  	[dreg:$0x1] =	wrdreg $0xFFFFFFFF  }
0xc1: {  	_ =	task.clear_ibuf [dreg:s6], $0x2FFFF;
	_ =	strace $0x9FFFFFFF  }
0xc2: {  	(tm) =	ssettm $0x7FFFFFFF  }
0xc3: {  	_ =	shalt  }
tec
execute0_lowered:
.L_overlay_start_1:
0x0: {  	(tag) =	ssettag $0x1  }
0x1: {  	s4 =	rddreg [dreg:$0x0]  }
0x2: {  	s1 =	rddreg [dreg:$0x1];
	s2 =	srdreg.scid  }
0x3: {  	s0 =	rddreg [dreg:$0x2];
	s3 =	simm.s32 $0x0;
	s10 =	simm.s32 $0x3  }
0x4: {  	s11 =	simm.s32 $0x2710;
	s12 =	simm.s32 $0x50;
	s13 =	simm.s32 $0xA710  }
0x5: {  	s14 =	simm.s32 $0xCF10;
	s15 =	simm.s32 $0x1;
	s16 =	simm.s32 $0x6510  }
0x6: {  	s17 =	simm.s32 $0x2;
	s5 =	sand.u32 $0x1, s2;
	s2 =	stileid.u32  }
0x7: {  	[smem:$0x7FF] =	sst s3;
	s6 =	sshll.u32 s5, $0xF;
	s7 =	sshll.u32 s2, $0xB  }
0x8: {  	s8 =	smul.u32 $0x27100, s5;
	s5 =	ssub.s32 $0x2, s5;
	_ =	strace $0x80000047  }
0x9: {  	p0 =	seq.s32 s2, $0xF;
	s9 =	smul.u32 $0x50000, s2;
	s6 =	sor.u32 s7, s6  }
0xa: {  	s19 =	smul.u32 $0x2800, s2;
	s30 =	sshrl.u32 s5, $0x1;
	s6 =	sadd.s32 s6, s4  }
0xb: {  	s8 =	sadd.s32 s8, s4;
	s7 =	ssub.s32 s5, s30;
	s4 =	simm.s32 $0x5  }
0xc: {  	s31 =	sshrl.u32 s9, $0x2;
	s9 =	simm.s32 $0xF710;
	s4 =	simm.s32 @!p0 $0x8  }
0xd: {  	s5 =	sadd.s32 $0x600, s6;
	s6 =	sadd.s32 $0x10600, s6;
	s18 =	sadd.s32 $0x20600, s8  }
0xe: {  	v0 =	vimm.f32 $0.0e+00;
	s7 =	smax.u32 s7, $0x1;
	s8 =	sadd.s32 s31, s1;
	s18 =	sadd.s32 s18, s19  }
.LBB2_1:
0xf: {  	s19 =	simm.s32 $0x200;
	s20 =	simm.s32 $0x0  }
.LBB2_2:
0x10: {  	p0 =	sne.s32 s19, $0x9E00;
	[tilespmem:s20+$0xF710] =	vst v0;
	s20 =	smov.u32 s19;
	s19 =	sadd.s32 $0x200, s19  }
.Ltmp0:
0x11: {  	(pc) =	sbr.rel @p0 .LBB2_2-.Ltmp0, $2  }
0x12: {  	_ =	sdelay $0x2  }
0x13: {  	s20 =	sshra.s32 s20, $0x2  }
0x14: {  	p0 =	sne.s32 s4, $0x1  }
.Ltmp1:
0x15: {  	_ = 	snop;
	(pc) =	sbr.rel @!p0 .LBB2_5-.Ltmp1, $4  }
0x16: {  	[tilespmem:s20+$0xF710] =	vst v0  }
0x17: {  	[spmem:s8] =	stream.linear.scatter [tilespmem:s9], [sflag:$0x3], $0x2800, $0x38;
	[tilespmem:$0x11F10] =	vst v63  }
0x18: {  	_ =	swait.ge [sflag:s10], $0x2800  }
0x19: {  	s19 =	sadd.s32 $0xFFFFFFFF, s4;
	s20 =	smov.u32 s8;
	[sflag:s10] =	ssyncset.done $0x0  }
.LBB2_4:
0x1a: {  	p1 =	sne.s32 s19, $0x1;
	[sflag:s10] =	ssyncadd.s32 $0xFFFFD800;
	s20 =	sadd.s32 $0x2800, s20  }
.Ltmp2:
0x1b: {  	s19 =	sadd.s32 $0xFFFFFFFF, s19;
	(pc) =	sbr.rel @p1 .LBB2_4-.Ltmp2, $4  }
0x1c: {  	_ = 	snop  }
0x1d: {  	[spmem:s20] =	stream.linear.scatter [tilespmem:s9], [sflag:$0x3], $0x2800, $0x38;
	[tilespmem:$0x11F10] =	vst v63  }
0x1e: {  	_ =	swait.ge [sflag:s10], $0x2800  }
0x1f: {  	[sflag:s10] =	ssyncset.done $0x0  }
.LBB2_5:
0x20: {  	[sflag:s10] =	ssyncadd.s32 $0xFFFFD800  }
0x21: {  	s19 =	simm.s32 $0x0;
	[bflag:$0x0] =	sbarrier.arrive $0xFFFF  }
0x22: {  	[tilespmem:s11], [sflag:$0x3] =	stream.linear.gather [hbm4b:s5+s19], $0x3E80, $0x38;
	[tilespmem:$0x11F10] =	vst v63  }
0x23: {  	_ =	swait.ge [sflag:s10], $0x3E80  }
0x24: {  	[sflag:s10] =	ssyncset.done $0x0  }
0x25: {  	s20 =	simm.s32 $0x6710;
	[sflag:s10] =	ssyncadd.s32 $0xFFFFC180  }
0x26: {  	[tilespmem:s20], [sflag:$0x3] =	stream.linear.gather [hbm4b:s6+s19], $0x3E80, $0x38;
	[tilespmem:$0x11F10] =	vst v63  }
0x27: {  	_ =	swait.ge [sflag:s10], $0x3E80  }
0x28: {  	[sflag:s10] =	ssyncset.done $0x0  }
0x29: {  	s21 =	simm.s32 $0x6790;
	[sflag:s10] =	ssyncadd.s32 $0xFFFFC180  }
.LBB2_6:
0x2a: {  	p1 =	seq.s32 s19, $0x0;
	v1 =	vmov s20  }
0x2b: {  	s22 =	simm.s32 @!p1 $0x1  }
0x2c: {  	_ =	swait.ge @!p1 [sflag:s22], $0x500  }
0x2d: {  	[sflag:s22] =	ssyncset.done @!p1 $0x0  }
0x2e: {  	s31 =	simm.s32 $0x0;
	[sflag:s22] =	ssyncadd.s32 @!p1 $0xFFFFFB00  }
0x2f: {  	v2 =	vld.idx.msk [tilespmem:v1+s31+$0x0 ss:$0x1], $0xffff;
	_ =	sdelay $0x4  }
0x30: {  	v2 =	vadd.f32 $0.0e+00, v2;
	_ =	sdelay $0x1  }
0x31: {  	v3 =	vbroadcast v2, $0x0  }
0x32: {  	s23 =	simm.s32 $0xAB10;
	v4 =	vbroadcast v2, $0x1  }
0x33: {  	v5 =	vbroadcast v2, $0x2;
	[tilespmem:s23+$0xFFFFFC00] =	vst v3  }
0x34: {  	v56 =	vbroadcast v2, $0x4;
	[tilespmem:s23+$0xFFFFFC80] =	vst v4  }
0x35: {  	v57 =	vbroadcast v2, $0x5;
	[tilespmem:s23+$0xFFFFFD00] =	vst v5  }
0x36: {  	v58 =	vbroadcast v2, $0x7;
	[tilespmem:s23+$0xFFFFFE00] =	vst v56  }
0x37: {  	v59 =	vbroadcast v2, $0x8;
	[tilespmem:s23+$0xFFFFFE80] =	vst v57  }
0x38: {  	v60 =	vbroadcast v2, $0xA;
	[tilespmem:s23+$0xFFFFFF80] =	vst v58  }
0x39: {  	v3 =	vbroadcast v2, $0x3;
	[tilespmem:s23+$0x0] =	vst v59  }
0x3a: {  	v61 =	vbroadcast v2, $0xB;
	[tilespmem:s23+$0x100] =	vst v60  }
0x3b: {  	[tilespmem:s23+$0xFFFFFD80] =	vst v3;
	v3 =	vbroadcast v2, $0x6  }
0x3c: {  	v62 =	vbroadcast v2, $0xD;
	[tilespmem:s23+$0x180] =	vst v61  }
0x3d: {  	[tilespmem:s23+$0xFFFFFF00] =	vst v3;
	v3 =	vbroadcast v2, $0x9  }
0x3e: {  	v63 =	vbroadcast v2, $0xE;
	[tilespmem:s23+$0x280] =	vst v62  }
0x3f: {  	[tilespmem:s23+$0x80] =	vst v3;
	v3 =	vbroadcast v2, $0xC  }
0x40: {  	[tilespmem:s23+$0x300] =	vst v63;
	v2 =	vbroadcast v2, $0xF  }
0x41: {  	[tilespmem:s23+$0x200] =	vst v3  }
0x42: {  	s25 =	simm.s32 $0x10;
	s24 =	simm.s32 $0x80;
	s22 =	sshll.u32 s19, $0xA;
	[tilespmem:s23+$0x380] =	vst v2  }
.LBB2_7:
0x43: {  	p2 =	sne.s32 s24, $0x100;
	v2 =	vld.idx.msk [tilespmem:v1+s25+$0x0 ss:$0x1], $0xffff;
	_ =	sdelay $0x5  }
0x44: {  	v2 =	vadd.f32 $0.0e+00, v2;
	_ =	sdelay $0x1  }
0x45: {  	v3 =	vbroadcast v2, $0x0;
	v4 =	vbroadcast v2, $0x1  }
0x46: {  	s23 =	sadd.s32 $0x800, s23;
	v5 =	vbroadcast v2, $0x2;
	v6 =	vbroadcast v2, $0x3  }
0x47: {  	v7 =	vbroadcast v2, $0x5;
	[tilespmem:s23+$0xFFFFFC00] =	vst v3;
	v3 =	vbroadcast v2, $0x4  }
0x48: {  	v8 =	vbroadcast v2, $0x7;
	[tilespmem:s23+$0xFFFFFC80] =	vst v4;
	v4 =	vbroadcast v2, $0x6  }
0x49: {  	v9 =	vbroadcast v2, $0x9;
	[tilespmem:s23+$0xFFFFFD00] =	vst v5;
	v5 =	vbroadcast v2, $0x8  }
0x4a: {  	v10 =	vbroadcast v2, $0xB;
	[tilespmem:s23+$0xFFFFFD80] =	vst v6;
	v6 =	vbroadcast v2, $0xA  }
0x4b: {  	v11 =	vbroadcast v2, $0xD;
	[tilespmem:s23+$0xFFFFFE00] =	vst v3;
	v3 =	vbroadcast v2, $0xC  }
0x4c: {  	[tilespmem:s23+$0xFFFFFE80] =	vst v7;
	v7 =	vbroadcast v2, $0xE;
	v2 =	vbroadcast v2, $0xF  }
0x4d: {  	[tilespmem:s23+$0xFFFFFF00] =	vst v4  }
0x4e: {  	[tilespmem:s23+$0xFFFFFF80] =	vst v8  }
0x4f: {  	[tilespmem:s23+$0x0] =	vst v5  }
0x50: {  	[tilespmem:s23+$0x80] =	vst v9  }
0x51: {  	[tilespmem:s23+$0x100] =	vst v6  }
.Ltmp3:
0x52: {  	[tilespmem:s23+$0x180] =	vst v10;
	(pc) =	sbr.rel @p2 .LBB2_7-.Ltmp3, $4  }
0x53: {  	[tilespmem:s23+$0x200] =	vst v3  }
0x54: {  	[tilespmem:s23+$0x280] =	vst v11  }
0x55: {  	[tilespmem:s23+$0x300] =	vst v7  }
0x56: {  	s25 =	sshra.s32 s24, $0x2;
	s24 =	sadd.s32 $0x40, s24;
	[tilespmem:s23+$0x380] =	vst v2  }
0x57: {  	_ =	sdelay $0x3  }
0x58: {  	v1 =	vld.idx.msk [tilespmem:v1+s25+$0x0 ss:$0x1], $0xffff;
	_ =	sdelay $0x4  }
0x59: {  	v1 =	vadd.f32 $0.0e+00, v1;
	_ =	sdelay $0x1  }
0x5a: {  	v2 =	vbroadcast v1, $0x0  }
0x5b: {  	s23 =	sadd.s32 $0x800, s23;
	v3 =	vbroadcast v1, $0x1  }
0x5c: {  	v4 =	vbroadcast v1, $0x2;
	[tilespmem:s23+$0xFFFFFC00] =	vst v2  }
0x5d: {  	v51 =	vbroadcast v1, $0x5;
	[tilespmem:s23+$0xFFFFFC80] =	vst v3  }
0x5e: {  	v52 =	vbroadcast v1, $0x8;
	[tilespmem:s23+$0xFFFFFD00] =	vst v4  }
0x5f: {  	v53 =	vbroadcast v1, $0xB;
	[tilespmem:s23+$0xFFFFFE80] =	vst v51  }
0x60: {  	v54 =	vbroadcast v1, $0xE;
	[tilespmem:s23+$0x0] =	vst v52  }
0x61: {  	v2 =	vbroadcast v1, $0x3;
	[tilespmem:s23+$0x180] =	vst v53  }
0x62: {  	v3 =	vbroadcast v1, $0x4;
	[tilespmem:s23+$0x300] =	vst v54  }
0x63: {  	[tilespmem:s23+$0xFFFFFD80] =	vst v2;
	v2 =	vbroadcast v1, $0x6  }
0x64: {  	[tilespmem:s23+$0xFFFFFE00] =	vst v3;
	v3 =	vbroadcast v1, $0x7  }
0x65: {  	[tilespmem:s23+$0xFFFFFF00] =	vst v2;
	v2 =	vbroadcast v1, $0x9  }
0x66: {  	[tilespmem:s23+$0xFFFFFF80] =	vst v3;
	v3 =	vbroadcast v1, $0xA  }
0x67: {  	[tilespmem:s23+$0x80] =	vst v2;
	v2 =	vbroadcast v1, $0xC  }
0x68: {  	[tilespmem:s23+$0x100] =	vst v3;
	v3 =	vbroadcast v1, $0xD  }
0x69: {  	v1 =	vbroadcast v1, $0xF;
	[tilespmem:s23+$0x200] =	vst v2  }
0x6a: {  	s24 =	sshra.s32 s22, $0x2;
	[tilespmem:s23+$0x280] =	vst v3  }
0x6b: {  	s30 =	sadd.s32 $0x2710, s24;
	[tilespmem:s23+$0x380] =	vst v1;
	v1 =	vmov s21;
	s23 =	simm.s32 @!p1 $0x2  }
0x6c: {  	[spmem:s1] =	stream.indirect.scatter.add.f32 [tilespmem:s13], [sflag:$0x1], $0x10, s30, s12, $0xb8;
	[tilespmem:$0x11F10] =	vst v63  }
0x6d: {  	_ =	swait.ge @!p1 [sflag:s23], $0x500  }
0x6e: {  	[sflag:s23] =	ssyncset.done @!p1 $0x0  }
0x6f: {  	s31 =	simm.s32 $0x0;
	[sflag:s23] =	ssyncadd.s32 @!p1 $0xFFFFFB00  }
0x70: {  	v2 =	vld.idx.msk [tilespmem:v1+s31+$0x0 ss:$0x1], $0xffff;
	_ =	sdelay $0x4  }
0x71: {  	v2 =	vadd.f32 $0.0e+00, v2;
	_ =	sdelay $0x1  }
0x72: {  	v3 =	vbroadcast v2, $0x0  }
0x73: {  	s23 =	simm.s32 $0xD310;
	v55 =	vbroadcast v2, $0x1  }
0x74: {  	v5 =	vbroadcast v2, $0x2;
	[tilespmem:s23+$0xFFFFFC00] =	vst v3  }
0x75: {  	v56 =	vbroadcast v2, $0x4;
	[tilespmem:s23+$0xFFFFFC80] =	vst v55  }
0x76: {  	v57 =	vbroadcast v2, $0x5;
	[tilespmem:s23+$0xFFFFFD00] =	vst v5  }
0x77: {  	v58 =	vbroadcast v2, $0x7;
	[tilespmem:s23+$0xFFFFFE00] =	vst v56  }
0x78: {  	v59 =	vbroadcast v2, $0x8;
	[tilespmem:s23+$0xFFFFFE80] =	vst v57  }
0x79: {  	v60 =	vbroadcast v2, $0xA;
	[tilespmem:s23+$0xFFFFFF80] =	vst v58  }
0x7a: {  	v3 =	vbroadcast v2, $0x3;
	[tilespmem:s23+$0x0] =	vst v59  }
0x7b: {  	v61 =	vbroadcast v2, $0xB;
	[tilespmem:s23+$0x100] =	vst v60  }
0x7c: {  	[tilespmem:s23+$0xFFFFFD80] =	vst v3;
	v3 =	vbroadcast v2, $0x6  }
0x7d: {  	v62 =	vbroadcast v2, $0xD;
	[tilespmem:s23+$0x180] =	vst v61  }
0x7e: {  	[tilespmem:s23+$0xFFFFFF00] =	vst v3;
	v3 =	vbroadcast v2, $0x9  }
0x7f: {  	v63 =	vbroadcast v2, $0xE;
	[tilespmem:s23+$0x280] =	vst v62  }
0x80: {  	[tilespmem:s23+$0x80] =	vst v3;
	v3 =	vbroadcast v2, $0xC  }
0x81: {  	[tilespmem:s23+$0x300] =	vst v63;
	v2 =	vbroadcast v2, $0xF  }
0x82: {  	[tilespmem:s23+$0x200] =	vst v3  }
0x83: {  	s22 =	sor.u32 $0x200, s22;
	s25 =	simm.s32 $0x10;
	s24 =	simm.s32 $0x80;
	[tilespmem:s23+$0x380] =	vst v2  }
.LBB2_9:
0x84: {  	p1 =	sne.s32 s24, $0x100;
	v2 =	vld.idx.msk [tilespmem:v1+s25+$0x0 ss:$0x1], $0xffff;
	_ =	sdelay $0x5  }
0x85: {  	v2 =	vadd.f32 $0.0e+00, v2;
	_ =	sdelay $0x1  }
0x86: {  	v3 =	vbroadcast v2, $0x0;
	v4 =	vbroadcast v2, $0x1  }
0x87: {  	s23 =	sadd.s32 $0x800, s23;
	v5 =	vbroadcast v2, $0x2;
	v6 =	vbroadcast v2, $0x3  }
0x88: {  	v7 =	vbroadcast v2, $0x5;
	[tilespmem:s23+$0xFFFFFC00] =	vst v3;
	v3 =	vbroadcast v2, $0x4  }
0x89: {  	v8 =	vbroadcast v2, $0x7;
	[tilespmem:s23+$0xFFFFFC80] =	vst v4;
	v4 =	vbroadcast v2, $0x6  }
0x8a: {  	v9 =	vbroadcast v2, $0x9;
	[tilespmem:s23+$0xFFFFFD00] =	vst v5;
	v5 =	vbroadcast v2, $0x8  }
0x8b: {  	v10 =	vbroadcast v2, $0xB;
	[tilespmem:s23+$0xFFFFFD80] =	vst v6;
	v6 =	vbroadcast v2, $0xA  }
0x8c: {  	v11 =	vbroadcast v2, $0xD;
	[tilespmem:s23+$0xFFFFFE00] =	vst v3;
	v3 =	vbroadcast v2, $0xC  }
0x8d: {  	[tilespmem:s23+$0xFFFFFE80] =	vst v7;
	v7 =	vbroadcast v2, $0xE;
	v2 =	vbroadcast v2, $0xF  }
0x8e: {  	[tilespmem:s23+$0xFFFFFF00] =	vst v4  }
0x8f: {  	[tilespmem:s23+$0xFFFFFF80] =	vst v8  }
0x90: {  	[tilespmem:s23+$0x0] =	vst v5  }
0x91: {  	[tilespmem:s23+$0x80] =	vst v9  }
0x92: {  	[tilespmem:s23+$0x100] =	vst v6  }
.Ltmp4:
0x93: {  	[tilespmem:s23+$0x180] =	vst v10;
	(pc) =	sbr.rel @p1 .LBB2_9-.Ltmp4, $4  }
0x94: {  	[tilespmem:s23+$0x200] =	vst v3  }
0x95: {  	[tilespmem:s23+$0x280] =	vst v11  }
0x96: {  	[tilespmem:s23+$0x300] =	vst v7  }
0x97: {  	s25 =	sshra.s32 s24, $0x2;
	s24 =	sadd.s32 $0x40, s24;
	[tilespmem:s23+$0x380] =	vst v2  }
0x98: {  	_ =	sdelay $0x3  }
0x99: {  	v1 =	vld.idx.msk [tilespmem:v1+s25+$0x0 ss:$0x1], $0xffff;
	_ =	sdelay $0x4  }
0x9a: {  	v1 =	vadd.f32 $0.0e+00, v1;
	_ =	sdelay $0x1  }
0x9b: {  	v2 =	vbroadcast v1, $0x0  }
0x9c: {  	s23 =	sadd.s32 $0x800, s23;
	v3 =	vbroadcast v1, $0x1  }
0x9d: {  	v4 =	vbroadcast v1, $0x2;
	[tilespmem:s23+$0xFFFFFC00] =	vst v2  }
0x9e: {  	v60 =	vbroadcast v1, $0x5;
	[tilespmem:s23+$0xFFFFFC80] =	vst v3  }
0x9f: {  	v61 =	vbroadcast v1, $0x8;
	[tilespmem:s23+$0xFFFFFD00] =	vst v4  }
0xa0: {  	v62 =	vbroadcast v1, $0xB;
	[tilespmem:s23+$0xFFFFFE80] =	vst v60  }
0xa1: {  	v63 =	vbroadcast v1, $0xE;
	[tilespmem:s23+$0x0] =	vst v61  }
0xa2: {  	v2 =	vbroadcast v1, $0x3;
	[tilespmem:s23+$0x180] =	vst v62  }
0xa3: {  	v3 =	vbroadcast v1, $0x4;
	[tilespmem:s23+$0x300] =	vst v63  }
0xa4: {  	[tilespmem:s23+$0xFFFFFD80] =	vst v2;
	v2 =	vbroadcast v1, $0x6  }
0xa5: {  	[tilespmem:s23+$0xFFFFFE00] =	vst v3;
	v3 =	vbroadcast v1, $0x7  }
0xa6: {  	[tilespmem:s23+$0xFFFFFF00] =	vst v2;
	v2 =	vbroadcast v1, $0x9  }
0xa7: {  	s19 =	sadd.s32 $0x1, s19;
	[tilespmem:s23+$0xFFFFFF80] =	vst v3;
	v3 =	vbroadcast v1, $0xA  }
0xa8: {  	p1 =	sne.s32 s19, $0x3E;
	[tilespmem:s23+$0x80] =	vst v2;
	v2 =	vbroadcast v1, $0xC  }
.Ltmp5:
0xa9: {  	[tilespmem:s23+$0x100] =	vst v3;
	v3 =	vbroadcast v1, $0xD;
	(pc) =	sbr.rel @p1 .LBB2_6-.Ltmp5, $4  }
0xaa: {  	v1 =	vbroadcast v1, $0xF;
	[tilespmem:s23+$0x200] =	vst v2  }
0xab: {  	s22 =	sshra.s32 s22, $0x2;
	[tilespmem:s23+$0x280] =	vst v3  }
0xac: {  	s20 =	sadd.s32 $0x100, s20;
	s21 =	sadd.s32 $0x100, s21;
	s22 =	sadd.s32 $0x2710, s22;
	[tilespmem:s23+$0x380] =	vst v1  }
0xad: {  	[spmem:s1] =	stream.indirect.scatter.add.f32 [tilespmem:s14], [sflag:$0x2], $0x10, s22, s12, $0xb8;
	[tilespmem:$0x11F10] =	vst v63  }
0xae: {  	_ =	swait.ge [sflag:s15], $0x500  }
0xaf: {  	[sflag:s15] =	ssyncset.done $0x0  }
0xb0: {  	s19 =	simm.s32 $0x0;
	[sflag:s15] =	ssyncadd.s32 $0xFFFFFB00  }
0xb1: {  	v1 =	vld [tilespmem:s19+$0xA510];
	_ =	sdelay $0x4  }
0xb2: {  	v1 =	vadd.f32 $0.0e+00, v1;
	_ =	sdelay $0x1  }
0xb3: {  	v2 =	vbroadcast v1, $0x0  }
0xb4: {  	s19 =	simm.s32 $0xAB10;
	v3 =	vbroadcast v1, $0x1  }
0xb5: {  	v4 =	vbroadcast v1, $0x2;
	[tilespmem:s19+$0xFFFFFC00] =	vst v2  }
0xb6: {  	v60 =	vbroadcast v1, $0x5;
	[tilespmem:s19+$0xFFFFFC80] =	vst v3  }
0xb7: {  	v61 =	vbroadcast v1, $0x8;
	[tilespmem:s19+$0xFFFFFD00] =	vst v4  }
0xb8: {  	v62 =	vbroadcast v1, $0xB;
	[tilespmem:s19+$0xFFFFFE80] =	vst v60  }
0xb9: {  	v63 =	vbroadcast v1, $0xE;
	[tilespmem:s19+$0x0] =	vst v61  }
0xba: {  	v2 =	vbroadcast v1, $0x3;
	[tilespmem:s19+$0x180] =	vst v62  }
0xbb: {  	v3 =	vbroadcast v1, $0x4;
	[tilespmem:s19+$0x300] =	vst v63  }
0xbc: {  	[tilespmem:s19+$0xFFFFFD80] =	vst v2;
	v2 =	vbroadcast v1, $0x6  }
0xbd: {  	[tilespmem:s19+$0xFFFFFE00] =	vst v3;
	v3 =	vbroadcast v1, $0x7  }
0xbe: {  	[tilespmem:s19+$0xFFFFFF00] =	vst v2;
	v2 =	vbroadcast v1, $0x9  }
0xbf: {  	[tilespmem:s19+$0xFFFFFF80] =	vst v3;
	v3 =	vbroadcast v1, $0xA  }
0xc0: {  	[tilespmem:s19+$0x80] =	vst v2;
	v2 =	vbroadcast v1, $0xC  }
0xc1: {  	[tilespmem:s19+$0x100] =	vst v3;
	v3 =	vbroadcast v1, $0xD  }
0xc2: {  	v1 =	vbroadcast v1, $0xF;
	[tilespmem:s19+$0x200] =	vst v2  }
0xc3: {  	[tilespmem:s19+$0x280] =	vst v3  }
0xc4: {  	s21 =	simm.s32 $0x10;
	s20 =	simm.s32 $0x80;
	[tilespmem:s19+$0x380] =	vst v1  }
.LBB2_12:
0xc5: {  	p1 =	sne.s32 s20, $0x100;
	v1 =	vld [tilespmem:s21+$0xA510];
	_ =	sdelay $0x4  }
0xc6: {  	v1 =	vadd.f32 $0.0e+00, v1;
	_ =	sdelay $0x1  }
0xc7: {  	v2 =	vbroadcast v1, $0x0;
	v3 =	vbroadcast v1, $0x1  }
0xc8: {  	s19 =	sadd.s32 $0x800, s19;
	v4 =	vbroadcast v1, $0x2;
	v5 =	vbroadcast v1, $0x3  }
0xc9: {  	v6 =	vbroadcast v1, $0x5;
	[tilespmem:s19+$0xFFFFFC00] =	vst v2;
	v2 =	vbroadcast v1, $0x4  }
0xca: {  	v7 =	vbroadcast v1, $0x7;
	[tilespmem:s19+$0xFFFFFC80] =	vst v3;
	v3 =	vbroadcast v1, $0x6  }
0xcb: {  	v8 =	vbroadcast v1, $0x9;
	[tilespmem:s19+$0xFFFFFD00] =	vst v4;
	v4 =	vbroadcast v1, $0x8  }
0xcc: {  	v9 =	vbroadcast v1, $0xB;
	[tilespmem:s19+$0xFFFFFD80] =	vst v5;
	v5 =	vbroadcast v1, $0xA  }
0xcd: {  	v10 =	vbroadcast v1, $0xD;
	[tilespmem:s19+$0xFFFFFE00] =	vst v2;
	v2 =	vbroadcast v1, $0xC  }
0xce: {  	[tilespmem:s19+$0xFFFFFE80] =	vst v6;
	v6 =	vbroadcast v1, $0xE;
	v1 =	vbroadcast v1, $0xF  }
0xcf: {  	[tilespmem:s19+$0xFFFFFF00] =	vst v3  }
0xd0: {  	[tilespmem:s19+$0xFFFFFF80] =	vst v7  }
0xd1: {  	[tilespmem:s19+$0x0] =	vst v4  }
0xd2: {  	[tilespmem:s19+$0x80] =	vst v8  }
0xd3: {  	[tilespmem:s19+$0x100] =	vst v5  }
.Ltmp6:
0xd4: {  	[tilespmem:s19+$0x180] =	vst v9;
	(pc) =	sbr.rel @p1 .LBB2_12-.Ltmp6, $4  }
0xd5: {  	[tilespmem:s19+$0x200] =	vst v2  }
0xd6: {  	[tilespmem:s19+$0x280] =	vst v10  }
0xd7: {  	[tilespmem:s19+$0x300] =	vst v6  }
0xd8: {  	s21 =	sshra.s32 s20, $0x2;
	s20 =	sadd.s32 $0x40, s20;
	[tilespmem:s19+$0x380] =	vst v1  }
0xd9: {  	v1 =	vld [tilespmem:s21+$0xA510];
	_ =	sdelay $0x4  }
0xda: {  	v1 =	vadd.f32 $0.0e+00, v1;
	_ =	sdelay $0x1  }
0xdb: {  	v2 =	vbroadcast v1, $0x0  }
0xdc: {  	s19 =	sadd.s32 $0x800, s19;
	v3 =	vbroadcast v1, $0x1  }
0xdd: {  	v4 =	vbroadcast v1, $0x2;
	[tilespmem:s19+$0xFFFFFC00] =	vst v2  }
0xde: {  	v60 =	vbroadcast v1, $0x5;
	[tilespmem:s19+$0xFFFFFC80] =	vst v3  }
0xdf: {  	v61 =	vbroadcast v1, $0x8;
	[tilespmem:s19+$0xFFFFFD00] =	vst v4  }
0xe0: {  	v62 =	vbroadcast v1, $0xB;
	[tilespmem:s19+$0xFFFFFE80] =	vst v60  }
0xe1: {  	v63 =	vbroadcast v1, $0xE;
	[tilespmem:s19+$0x0] =	vst v61  }
0xe2: {  	v2 =	vbroadcast v1, $0x3;
	[tilespmem:s19+$0x180] =	vst v62  }
0xe3: {  	v3 =	vbroadcast v1, $0x4;
	[tilespmem:s19+$0x300] =	vst v63  }
0xe4: {  	[tilespmem:s19+$0xFFFFFD80] =	vst v2;
	v2 =	vbroadcast v1, $0x6  }
0xe5: {  	[tilespmem:s19+$0xFFFFFE00] =	vst v3;
	v3 =	vbroadcast v1, $0x7  }
0xe6: {  	[tilespmem:s19+$0xFFFFFF00] =	vst v2;
	v2 =	vbroadcast v1, $0x9  }
0xe7: {  	[tilespmem:s19+$0xFFFFFF80] =	vst v3;
	v3 =	vbroadcast v1, $0xA  }
0xe8: {  	[tilespmem:s19+$0x80] =	vst v2;
	v2 =	vbroadcast v1, $0xC  }
0xe9: {  	[tilespmem:s19+$0x100] =	vst v3;
	v3 =	vbroadcast v1, $0xD  }
0xea: {  	v1 =	vbroadcast v1, $0xF;
	[tilespmem:s19+$0x200] =	vst v2  }
0xeb: {  	[tilespmem:s19+$0x280] =	vst v3  }
0xec: {  	[tilespmem:s19+$0x380] =	vst v1  }
0xed: {  	[spmem:s1] =	stream.indirect.scatter.add.f32 [tilespmem:s13], [sflag:$0x1], $0x10, s16, s12, $0xb8;
	[tilespmem:$0x11F10] =	vst v63  }
0xee: {  	_ =	swait.ge [sflag:s17], $0x500  }
0xef: {  	[sflag:s17] =	ssyncset.done $0x0  }
0xf0: {  	[sflag:s17] =	ssyncadd.s32 $0xFFFFFB00  }
0xf1: {  	_ =	swait.ge [sflag:s15], $0x500  }
.Ltmp7:
0xf2: {  	[sflag:s15] =	ssyncset.done $0x0;
	(pc) =	sbr.rel @!p0 .LBB2_15-.Ltmp7, $4  }
0xf3: {  	s31 =	sshll.u32 s2, $0x6;
	s20 =	sshrl.u32 s8, $0x3;
	[sflag:s15] =	ssyncadd.s32 $0xFFFFFB00  }
0xf4: {  	s21 =	sadd.s32 $0x500, s18;
	s19 =	sor.u32 $0x1C03, s31;
	[bflag:$0x0] =	sbarrier.arrive $0xFFFF  }
0xf5: {  	[hbm:s18], [sflag:s19] =	dma.local [spmem:s20], $0x500  }
0xf6: {  	s22 =	smov.u32 s8;
	s20 =	sadd.s32 $0xFFFFFFFF, s4;
	_ =	swait.ge [sflag:s10], $0x500  }
.LBB2_14:
0xf7: {  	[sflag:s10] =	ssyncset.done $0x0;
	s22 =	sadd.s32 $0x2800, s22;
	p0 =	sne.s32 s20, $0x1  }
.Ltmp8:
0xf8: {  	s23 =	sshrl.u32 s22, $0x3;
	[sflag:s10] =	ssyncadd.s32 $0xFFFFFB00;
	(pc) =	sbr.rel @p0 .LBB2_14-.Ltmp8, $3  }
0xf9: {  	[hbm:s21], [sflag:s19] =	dma.local [spmem:s23], $0x500  }
0xfa: {  	s20 =	sadd.s32 $0xFFFFFFFF, s20;
	_ =	sdelay $0x1  }
0xfb: {  	s21 =	sadd.s32 $0x500, s21;
	_ =	swait.ge [sflag:s10], $0x500  }
.LBB2_15:
0xfc: {  	s3 =	sadd.s32 $0x1, s3  }
0xfd: {  	p0 =	sne.s32 s3, s7  }
.Ltmp9:
0xfe: {  	_ = 	snop;
	(pc) =	sbr.rel @p0 .LBB2_1-.Ltmp9, $3  }
0xff: {  	_ =	sdelay $0x1  }
0x100: {  	[sflag:s10] =	ssyncset.done $0x0  }
0x101: {  	[sflag:s10] =	ssyncadd.s32 $0xFFFFFB00  }
0x102: {  	_ =	sfence.sel $0x180000  }
0x103: {  	[bflag:$0x0] =	sbarrier.arrive $0xFFFF  }
0x104: {  	p0 =	sne.s32 s2, $0x0;
	_ =	strace $0x90000047  }
0x105: {  	s0 =	sadd.s32 @!p0 $0x100000, s0;
	[bflag:$0x2] =	sbarrier.arrive $0xFFFF  }
0x106: {  	[sflag:s0] =	ssyncadd.tile.s32 @!p0 $0x1;
	_ =	shalt  }
.Lfunc_end2:
_tile_overlayer_lowered:
.L_overlay_start_2:
0x107: {  	(tag) =	ssettag $0x2  }
0x108: {  	s0 =	rddreg [dreg:$0x0];
	s2 =	stileid.u32  }
0x109: {  	s1 =	rddreg [dreg:$0x1];
	p0 =	sne.s32 s2, $0x0  }
0x10a: {  	s3 =	rddreg [dreg:$0x2];
	[bflag:$0x3] =	sbarrier.arrive $0xFFFF;
	s2 =	simm.s32 @!p0 $0x1C03  }
0x10b: {  	[timem:s3], [sflag:s2] =	dma.local @!p0 [hbm:s0], s1  }
0x10c: {  	s0 =	simm.s32 @!p0 $0x3  }
0x10d: {  	_ =	swait.ge @!p0 [sflag:s0], s1  }
0x10e: {  	s1 =	ssub.s32 @!p0 $0x0, s1;
	[sflag:s0] =	ssyncset.done @!p0 $0x0  }
0x10f: {  	[sflag:s0] =	ssyncadd.s32 @!p0 s1  }
0x110: {  	[bflag:$0x3] =	sbarrier.arrive $0xFFFF  }
0x111: {  	_ =	shalt  }

</sc_bundles>
